<compile_context>
chip_gen: v7x
topology: tpu7x:2x2x1
jax: 0.10.2.dev20260603
libtpu: 0.0.44.dev20260713+nightly
codegen_flags: <defaults>
</compile_context>

<pallas_src>
import jax
import jax.numpy as jnp
from jax import lax
from jax.experimental import pallas as pl
from jax.experimental.pallas import tpu as pltpu
from jax.experimental.pallas import tpu_sc as plsc

DIM_ = 4096
BATCH_ = 16384

_info = plsc.get_sparse_core_info()
_NC = _info.num_cores
_NS = _info.num_subcores
_L = _info.num_lanes
_NW = _NC * _NS
_ROWS_PER_W = BATCH_ // _NW
_R = 4
_NBLK = _ROWS_PER_W // _R
_NIN = 4
_NOUT = 2
_MAIN = _NBLK - _NIN
_NCHUNK = DIM_ // _L


def _perm_gather_body(
    x_hbm, perm_hbm, out_hbm,
    perm_v, xin0, xin1, xin2, xin3, xout0, xout1,
    si0, si1, si2, si3, so0, so1,
):
    wid = lax.axis_index("s") * _NC + lax.axis_index("c")
    base = wid * _ROWS_PER_W
    xins = (xin0, xin1, xin2, xin3)
    xouts = (xout0, xout1)
    sis = (si0, si1, si2, si3)
    sos = (so0, so1)

    pltpu.sync_copy(perm_hbm, perm_v)

    def in_copy(b, k):
        elem0 = (base + b * _R) * DIM_
        return pltpu.make_async_copy(
            x_hbm.at[pl.ds(elem0, _R * DIM_)], xins[k], sis[k])

    def out_copy(b, k):
        elem0 = (base + b * _R) * DIM_
        return pltpu.make_async_copy(
            xouts[k], out_hbm.at[pl.ds(elem0, _R * DIM_)], sos[k])

    def compute(ki, ko):
        @plsc.parallel_loop(0, _NCHUNK, unroll=4)
        def _chunk(c):
            col0 = c * _L
            idx = perm_v[pl.ds(col0, _L)]
            for r in range(_R):
                vals = plsc.load_gather(xins[ki], [idx + (r * DIM_)])
                xouts[ko][pl.ds(r * DIM_ + col0, _L)] = vals

    for j in range(_NIN - 1):
        in_copy(j, j).start()

    @pl.loop(0, _MAIN, step=_NIN)
    def _bb(bb):
        for k in range(_NIN):
            b = bb + k
            in_copy(b, k).wait()
            in_copy(b + _NIN - 1, (k + _NIN - 1) % _NIN).start()
            ko = k % _NOUT

            @pl.when(b >= _NOUT)
            def _drain_prev_out():
                out_copy(b - _NOUT, ko).wait()

            compute(k, ko)
            out_copy(b, ko).start()

    for b in range(_MAIN, _NBLK):
        k = b % _NIN
        ko = k % _NOUT
        in_copy(b, k).wait()
        if b + _NIN - 1 < _NBLK:
            in_copy(b + _NIN - 1, (b + _NIN - 1) % _NIN).start()
        out_copy(b - _NOUT, ko).wait()
        compute(k, ko)
        out_copy(b, ko).start()

    for b in range(_NBLK - _NOUT, _NBLK):
        out_copy(b, b % _NOUT).wait()


@jax.jit
def kernel(x, perm):
    perm32 = perm.astype(jnp.int32)
    mesh = plsc.VectorSubcoreMesh(core_axis_name="c", subcore_axis_name="s")
    run = pl.kernel(
        _perm_gather_body,
        out_type=jax.ShapeDtypeStruct((BATCH_ * DIM_,), jnp.float32),
        mesh=mesh,
        scratch_types=(
            [pltpu.VMEM((DIM_,), jnp.int32)]
            + [pltpu.VMEM((_R * DIM_,), jnp.float32) for _ in range(_NIN + _NOUT)]
            + [pltpu.SemaphoreType.DMA for _ in range(_NIN + _NOUT)]
        ),
        compiler_params=pltpu.CompilerParams(
            use_tc_tiling_on_sc=False, needs_layout_passes=False
        ),
    )
    out_flat = run(x.reshape(-1), perm32)
    return out_flat.reshape(BATCH_, DIM_)

# --- scband reference (transcript-rebuilt; emitter-appended) ---
"""Pipeline reference for scband-random-permutation-41738492183137 (READ-ONLY COPY).

The authoritative reference and input builder live on the scoring server;
editing this copy changes nothing except your own understanding.
"""

import jax, jax.numpy as jnp
import numpy as np

DIM = 4096
BATCH = 16384

def setup_inputs(seed: int = 0) -> dict:
    key = jax.random.key(seed)
    kx, kp = jax.random.split(key)
    x = jax.random.normal(kx, (BATCH, DIM), dtype=jnp.float32)
    perm = jax.random.permutation(kp, DIM).astype(jnp.int64)
    return {"x": x, "perm": perm}

def reference(x, perm):
    # x[:, self.perm]
    return jnp.take(x, perm, axis=1)

if __name__ == "__main__":
    import jax
    _d = setup_inputs()
    print(jax.jit(kernel)(*tuple(_d.values())))

</pallas_src>

<mosaic_0001>
#map = affine_map<(d0, d1) -> (0)>
module attributes {stable_mosaic.version = 14 : i64} {
  func.func @_perm_gather_body(%arg0: i32, %arg1: i32, %arg2: memref<67108864xf32, #tpu.memory_space<hbm>>, %arg3: memref<4096xi32, #tpu.memory_space<hbm>>, %arg4: memref<67108864xf32, #tpu.memory_space<hbm>>, %arg5: memref<4096xi32, #tpu.memory_space<vmem>>, %arg6: memref<16384xf32, #tpu.memory_space<vmem>>, %arg7: memref<16384xf32, #tpu.memory_space<vmem>>, %arg8: memref<16384xf32, #tpu.memory_space<vmem>>, %arg9: memref<16384xf32, #tpu.memory_space<vmem>>, %arg10: memref<16384xf32, #tpu.memory_space<vmem>>, %arg11: memref<16384xf32, #tpu.memory_space<vmem>>, %arg12: memref<!tpu.dma_semaphore, #tpu.memory_space<semaphore_mem>>, %arg13: memref<!tpu.dma_semaphore, #tpu.memory_space<semaphore_mem>>, %arg14: memref<!tpu.dma_semaphore, #tpu.memory_space<semaphore_mem>>, %arg15: memref<!tpu.dma_semaphore, #tpu.memory_space<semaphore_mem>>, %arg16: memref<!tpu.dma_semaphore, #tpu.memory_space<semaphore_mem>>, %arg17: memref<!tpu.dma_semaphore, #tpu.memory_space<semaphore_mem>>) attributes {dimension_semantics = [#tpu.dimension_semantics<core_parallel>, #tpu.dimension_semantics<subcore_parallel>], iteration_bounds = array<i64: 2, 16>, scalar_prefetch = 0 : i64, scratch_operands = 13 : i64, tpu.core_type = #tpu.core_type<sc_vector_subcore>, window_params = [{transform_indices = #map}, {transform_indices = #map}, {transform_indices = #map}]} {
    %mul3A = arith.constant 2 : i32
    %mul3A_0 = arith.muli %arg1, %mul3A : i32
    %add3A = arith.addi %mul3A_0, %arg0 : i32
    %mul3A_1 = arith.constant 512 : i32
    %mul3A_2 = arith.muli %add3A, %mul3A_1 : i32
    "tpu.region"() ({
      %run_scoped3A = tpu.sem_alloc : memref<!tpu.dma_semaphore, #tpu.memory_space<semaphore_mem>>
      tpu.enqueue_dma source(%arg3 : memref<4096xi32, #tpu.memory_space<hbm>>) target(%arg5 : memref<4096xi32, #tpu.memory_space<vmem>>) target_semaphore(%run_scoped3A : memref<!tpu.dma_semaphore, #tpu.memory_space<semaphore_mem>>)
      tpu.wait_dma2 semaphore(%run_scoped3A : memref<!tpu.dma_semaphore, #tpu.memory_space<semaphore_mem>>) src(%arg3 : memref<4096xi32, #tpu.memory_space<hbm>>) dst(%arg5 : memref<4096xi32, #tpu.memory_space<vmem>>)
      tpu.yield
    }) : () -> ()
    %add3A_3 = arith.constant 0 : i32
    %add3A_4 = arith.addi %mul3A_2, %add3A_3 : i32
    %mul3A_5 = arith.constant 4096 : i32
    %mul3A_6 = arith.muli %add3A_4, %mul3A_5 : i32
    %dma_start3A = tpu.memref_slice %arg2[%mul3A_6] : memref<67108864xf32, #tpu.memory_space<hbm>> -> memref<16384xf32, #tpu.memory_space<hbm>>
    %dma_start3A_7 = tpu.memref_slice %arg2[%mul3A_6] : memref<67108864xf32, #tpu.memory_space<hbm>> -> memref<16384xf32, #tpu.memory_space<hbm>>
    tpu.enqueue_dma source(%dma_start3A_7 : memref<16384xf32, #tpu.memory_space<hbm>>) target(%arg6 : memref<16384xf32, #tpu.memory_space<vmem>>) target_semaphore(%arg12 : memref<!tpu.dma_semaphore, #tpu.memory_space<semaphore_mem>>)
    %add3A_8 = arith.constant 4 : i32
    %add3A_9 = arith.addi %mul3A_2, %add3A_8 : i32
    %mul3A_10 = arith.constant 4096 : i32
    %mul3A_11 = arith.muli %add3A_9, %mul3A_10 : i32
    %dma_start3A_12 = tpu.memref_slice %arg2[%mul3A_11] : memref<67108864xf32, #tpu.memory_space<hbm>> -> memref<16384xf32, #tpu.memory_space<hbm>>
    %dma_start3A_13 = tpu.memref_slice %arg2[%mul3A_11] : memref<67108864xf32, #tpu.memory_space<hbm>> -> memref<16384xf32, #tpu.memory_space<hbm>>
    tpu.enqueue_dma source(%dma_start3A_13 : memref<16384xf32, #tpu.memory_space<hbm>>) target(%arg7 : memref<16384xf32, #tpu.memory_space<vmem>>) target_semaphore(%arg13 : memref<!tpu.dma_semaphore, #tpu.memory_space<semaphore_mem>>)
    %add3A_14 = arith.constant 8 : i32
    %add3A_15 = arith.addi %mul3A_2, %add3A_14 : i32
    %mul3A_16 = arith.constant 4096 : i32
    %mul3A_17 = arith.muli %add3A_15, %mul3A_16 : i32
    %dma_start3A_18 = tpu.memref_slice %arg2[%mul3A_17] : memref<67108864xf32, #tpu.memory_space<hbm>> -> memref<16384xf32, #tpu.memory_space<hbm>>
    %dma_start3A_19 = tpu.memref_slice %arg2[%mul3A_17] : memref<67108864xf32, #tpu.memory_space<hbm>> -> memref<16384xf32, #tpu.memory_space<hbm>>
    tpu.enqueue_dma source(%dma_start3A_19 : memref<16384xf32, #tpu.memory_space<hbm>>) target(%arg8 : memref<16384xf32, #tpu.memory_space<vmem>>) target_semaphore(%arg14 : memref<!tpu.dma_semaphore, #tpu.memory_space<semaphore_mem>>)
    %scan3A = arith.constant 0 : i32
    %scan3A_20 = arith.constant 31 : i32
    %scan3A_21 = arith.addi %scan3A, %scan3A_20 : i32
    %scan3A_22 = arith.constant 1 : i32
    scf.for %scan3A_124 = %scan3A to %scan3A_21 step %scan3A_22  : i32 {
      %mul3A_125 = arith.constant 4 : i32
      %mul3A_126 = arith.muli %scan3A_124, %mul3A_125 : i32
      %add3A_127 = arith.constant 0 : i32
      %add3A_128 = arith.addi %add3A_127, %mul3A_126 : i32
      %add3A_129 = arith.constant 0 : i32
      %add3A_130 = arith.addi %add3A_128, %add3A_129 : i32
      %mul3A_131 = arith.constant 4 : i32
      %mul3A_132 = arith.muli %add3A_130, %mul3A_131 : i32
      %add3A_133 = arith.addi %mul3A_2, %mul3A_132 : i32
      %mul3A_134 = arith.constant 4096 : i32
      %mul3A_135 = arith.muli %add3A_133, %mul3A_134 : i32
      %dma_wait3A_136 = tpu.memref_slice %arg2[%mul3A_135] : memref<67108864xf32, #tpu.memory_space<hbm>> -> memref<16384xf32, #tpu.memory_space<hbm>>
      %dma_wait3A_137 = tpu.memref_slice %arg2[%mul3A_135] : memref<67108864xf32, #tpu.memory_space<hbm>> -> memref<16384xf32, #tpu.memory_space<hbm>>
      tpu.wait_dma2 semaphore(%arg12 : memref<!tpu.dma_semaphore, #tpu.memory_space<semaphore_mem>>) src(%dma_wait3A_137 : memref<16384xf32, #tpu.memory_space<hbm>>) dst(%arg6 : memref<16384xf32, #tpu.memory_space<vmem>>)
      %add3A_138 = arith.constant 4 : i32
      %add3A_139 = arith.addi %add3A_130, %add3A_138 : i32
      %sub3A = arith.constant 1 : i32
      %sub3A_140 = arith.subi %add3A_139, %sub3A : i32
      %mul3A_141 = arith.constant 4 : i32
      %mul3A_142 = arith.muli %sub3A_140, %mul3A_141 : i32
      %add3A_143 = arith.addi %mul3A_2, %mul3A_142 : i32
      %mul3A_144 = arith.constant 4096 : i32
      %mul3A_145 = arith.muli %add3A_143, %mul3A_144 : i32
      %dma_start3A_146 = tpu.memref_slice %arg2[%mul3A_145] : memref<67108864xf32, #tpu.memory_space<hbm>> -> memref<16384xf32, #tpu.memory_space<hbm>>
      %dma_start3A_147 = tpu.memref_slice %arg2[%mul3A_145] : memref<67108864xf32, #tpu.memory_space<hbm>> -> memref<16384xf32, #tpu.memory_space<hbm>>
      tpu.enqueue_dma source(%dma_start3A_147 : memref<16384xf32, #tpu.memory_space<hbm>>) target(%arg9 : memref<16384xf32, #tpu.memory_space<vmem>>) target_semaphore(%arg15 : memref<!tpu.dma_semaphore, #tpu.memory_space<semaphore_mem>>)
      %ge3A = arith.constant 2 : i32
      %ge3A_148 = arith.cmpi sge, %add3A_130, %ge3A : i32
      %convert_element_type3A = arith.extui %ge3A_148 : i1 to i32
      %cond3A = arith.constant 0 : i32
      %cond3A_149 = arith.cmpi ne, %convert_element_type3A, %cond3A : i32
      scf.if %cond3A_149 {
        %sub3A_265 = arith.constant 2 : i32
        %sub3A_266 = arith.subi %add3A_130, %sub3A_265 : i32
        %mul3A_267 = arith.constant 4 : i32
        %mul3A_268 = arith.muli %sub3A_266, %mul3A_267 : i32
        %add3A_269 = arith.addi %mul3A_2, %mul3A_268 : i32
        %mul3A_270 = arith.constant 4096 : i32
        %mul3A_271 = arith.muli %add3A_269, %mul3A_270 : i32
        %dma_wait3A_272 = tpu.memref_slice %arg4[%mul3A_271] : memref<67108864xf32, #tpu.memory_space<hbm>> -> memref<16384xf32, #tpu.memory_space<hbm>>
        %dma_wait3A_273 = tpu.memref_slice %arg4[%mul3A_271] : memref<67108864xf32, #tpu.memory_space<hbm>> -> memref<16384xf32, #tpu.memory_space<hbm>>
        tpu.wait_dma2 semaphore(%arg16 : memref<!tpu.dma_semaphore, #tpu.memory_space<semaphore_mem>>) src(%arg10 : memref<16384xf32, #tpu.memory_space<vmem>>) dst(%dma_wait3A_273 : memref<16384xf32, #tpu.memory_space<hbm>>)
      } else {
      }
      %parallel_loop3A_150 = arith.constant 0 : i32
      %parallel_loop3A_151 = arith.constant 256 : i32
      %parallel_loop3A_152 = arith.constant 1 : i32
      scf.for %parallel_loop3A_265 = %parallel_loop3A_150 to %parallel_loop3A_151 step %parallel_loop3A_152  : i32 {
        %parallel_loop3A_266 = arith.constant 16 : i32
        %parallel_loop3A_267 = arith.muli %parallel_loop3A_265, %parallel_loop3A_266 : i32
        %parallel_loop3A_268 = arith.index_cast %parallel_loop3A_267 : i32 to index
        %parallel_loop3A_269 = tpu.vector_load %arg5[%parallel_loop3A_268] {strides = array<i32>} : memref<4096xi32, #tpu.memory_space<vmem>>, vector<16xi32>,
        %parallel_loop3A_270 = arith.constant 0 : i32
        %parallel_loop3A_271 = vector.broadcast %parallel_loop3A_270 : i32 to vector<16xi32>
        %parallel_loop3A_272 = arith.addi %parallel_loop3A_269, %parallel_loop3A_271 : vector<16xi32>
        %parallel_loop3A_273 = tpu.vector_load_idx %arg6[%parallel_loop3A_272] : memref<16384xf32, #tpu.memory_space<vmem>>[vector<16xi32>], vector<16xf32>,
        %parallel_loop3A_274 = arith.constant 0 : i32
        %parallel_loop3A_275 = arith.addi %parallel_loop3A_274, %parallel_loop3A_267 : i32
        %parallel_loop3A_276 = arith.index_cast %parallel_loop3A_275 : i32 to index
        %parallel_loop3A_277 = tpu.vector_load %arg10[%parallel_loop3A_276] {strides = array<i32>} : memref<16384xf32, #tpu.memory_space<vmem>>, vector<16xf32>,
        tpu.vector_store %arg10[%parallel_loop3A_276], %parallel_loop3A_273 {strides = array<i32>} : memref<16384xf32, #tpu.memory_space<vmem>>, vector<16xf32>,
        %parallel_loop3A_278 = arith.constant 4096 : i32
        %parallel_loop3A_279 = vector.broadcast %parallel_loop3A_278 : i32 to vector<16xi32>
        %parallel_loop3A_280 = arith.addi %parallel_loop3A_269, %parallel_loop3A_279 : vector<16xi32>
        %parallel_loop3A_281 = tpu.vector_load_idx %arg6[%parallel_loop3A_280] : memref<16384xf32, #tpu.memory_space<vmem>>[vector<16xi32>], vector<16xf32>,
        %parallel_loop3A_282 = arith.constant 4096 : i32
        %parallel_loop3A_283 = arith.addi %parallel_loop3A_282, %parallel_loop3A_267 : i32
        %parallel_loop3A_284 = arith.index_cast %parallel_loop3A_283 : i32 to index
        %parallel_loop3A_285 = tpu.vector_load %arg10[%parallel_loop3A_284] {strides = array<i32>} : memref<16384xf32, #tpu.memory_space<vmem>>, vector<16xf32>,
        tpu.vector_store %arg10[%parallel_loop3A_284], %parallel_loop3A_281 {strides = array<i32>} : memref<16384xf32, #tpu.memory_space<vmem>>, vector<16xf32>,
        %parallel_loop3A_286 = arith.constant 8192 : i32
        %parallel_loop3A_287 = vector.broadcast %parallel_loop3A_286 : i32 to vector<16xi32>
        %parallel_loop3A_288 = arith.addi %parallel_loop3A_269, %parallel_loop3A_287 : vector<16xi32>
        %parallel_loop3A_289 = tpu.vector_load_idx %arg6[%parallel_loop3A_288] : memref<16384xf32, #tpu.memory_space<vmem>>[vector<16xi32>], vector<16xf32>,
        %parallel_loop3A_290 = arith.constant 8192 : i32
        %parallel_loop3A_291 = arith.addi %parallel_loop3A_290, %parallel_loop3A_267 : i32
        %parallel_loop3A_292 = arith.index_cast %parallel_loop3A_291 : i32 to index
        %parallel_loop3A_293 = tpu.vector_load %arg10[%parallel_loop3A_292] {strides = array<i32>} : memref<16384xf32, #tpu.memory_space<vmem>>, vector<16xf32>,
        tpu.vector_store %arg10[%parallel_loop3A_292], %parallel_loop3A_289 {strides = array<i32>} : memref<16384xf32, #tpu.memory_space<vmem>>, vector<16xf32>,
        %parallel_loop3A_294 = arith.constant 12288 : i32
        %parallel_loop3A_295 = vector.broadcast %parallel_loop3A_294 : i32 to vector<16xi32>
        %parallel_loop3A_296 = arith.addi %parallel_loop3A_269, %parallel_loop3A_295 : vector<16xi32>
        %parallel_loop3A_297 = tpu.vector_load_idx %arg6[%parallel_loop3A_296] : memref<16384xf32, #tpu.memory_space<vmem>>[vector<16xi32>], vector<16xf32>,
        %parallel_loop3A_298 = arith.constant 12288 : i32
        %parallel_loop3A_299 = arith.addi %parallel_loop3A_298, %parallel_loop3A_267 : i32
        %parallel_loop3A_300 = arith.index_cast %parallel_loop3A_299 : i32 to index
        %parallel_loop3A_301 = tpu.vector_load %arg10[%parallel_loop3A_300] {strides = array<i32>} : memref<16384xf32, #tpu.memory_space<vmem>>, vector<16xf32>,
        tpu.vector_store %arg10[%parallel_loop3A_300], %parallel_loop3A_297 {strides = array<i32>} : memref<16384xf32, #tpu.memory_space<vmem>>, vector<16xf32>,
      } {sc.loop_unroll_factor = 4 : i64, sc.parallel_access}
      %mul3A_153 = arith.constant 4 : i32
      %mul3A_154 = arith.muli %add3A_130, %mul3A_153 : i32
      %add3A_155 = arith.addi %mul3A_2, %mul3A_154 : i32
      %mul3A_156 = arith.constant 4096 : i32
      %mul3A_157 = arith.muli %add3A_155, %mul3A_156 : i32
      %dma_start3A_158 = tpu.memref_slice %arg4[%mul3A_157] : memref<67108864xf32, #tpu.memory_space<hbm>> -> memref<16384xf32, #tpu.memory_space<hbm>>
      %dma_start3A_159 = tpu.memref_slice %arg4[%mul3A_157] : memref<67108864xf32, #tpu.memory_space<hbm>> -> memref<16384xf32, #tpu.memory_space<hbm>>
      tpu.enqueue_dma source(%arg10 : memref<16384xf32, #tpu.memory_space<vmem>>) target(%dma_start3A_159 : memref<16384xf32, #tpu.memory_space<hbm>>) target_semaphore(%arg16 : memref<!tpu.dma_semaphore, #tpu.memory_space<semaphore_mem>>)
      %add3A_160 = arith.constant 1 : i32
      %add3A_161 = arith.addi %add3A_128, %add3A_160 : i32
      %mul3A_162 = arith.constant 4 : i32
      %mul3A_163 = arith.muli %add3A_161, %mul3A_162 : i32
      %add3A_164 = arith.addi %mul3A_2, %mul3A_163 : i32
      %mul3A_165 = arith.constant 4096 : i32
      %mul3A_166 = arith.muli %add3A_164, %mul3A_165 : i32
      %dma_wait3A_167 = tpu.memref_slice %arg2[%mul3A_166] : memref<67108864xf32, #tpu.memory_space<hbm>> -> memref<16384xf32, #tpu.memory_space<hbm>>
      %dma_wait3A_168 = tpu.memref_slice %arg2[%mul3A_166] : memref<67108864xf32, #tpu.memory_space<hbm>> -> memref<16384xf32, #tpu.memory_space<hbm>>
      tpu.wait_dma2 semaphore(%arg13 : memref<!tpu.dma_semaphore, #tpu.memory_space<semaphore_mem>>) src(%dma_wait3A_168 : memref<16384xf32, #tpu.memory_space<hbm>>) dst(%arg7 : memref<16384xf32, #tpu.memory_space<vmem>>)
      %add3A_169 = arith.constant 4 : i32
      %add3A_170 = arith.addi %add3A_161, %add3A_169 : i32
      %sub3A_171 = arith.constant 1 : i32
      %sub3A_172 = arith.subi %add3A_170, %sub3A_171 : i32
      %mul3A_173 = arith.constant 4 : i32
      %mul3A_174 = arith.muli %sub3A_172, %mul3A_173 : i32
      %add3A_175 = arith.addi %mul3A_2, %mul3A_174 : i32
      %mul3A_176 = arith.constant 4096 : i32
      %mul3A_177 = arith.muli %add3A_175, %mul3A_176 : i32
      %dma_start3A_178 = tpu.memref_slice %arg2[%mul3A_177] : memref<67108864xf32, #tpu.memory_space<hbm>> -> memref<16384xf32, #tpu.memory_space<hbm>>
      %dma_start3A_179 = tpu.memref_slice %arg2[%mul3A_177] : memref<67108864xf32, #tpu.memory_space<hbm>> -> memref<16384xf32, #tpu.memory_space<hbm>>
      tpu.enqueue_dma source(%dma_start3A_179 : memref<16384xf32, #tpu.memory_space<hbm>>) target(%arg6 : memref<16384xf32, #tpu.memory_space<vmem>>) target_semaphore(%arg12 : memref<!tpu.dma_semaphore, #tpu.memory_space<semaphore_mem>>)
      %ge3A_180 = arith.constant 2 : i32
      %ge3A_181 = arith.cmpi sge, %add3A_161, %ge3A_180 : i32
      %convert_element_type3A_182 = arith.extui %ge3A_181 : i1 to i32
      %cond3A_183 = arith.constant 0 : i32
      %cond3A_184 = arith.cmpi ne, %convert_element_type3A_182, %cond3A_183 : i32
      scf.if %cond3A_184 {
        %sub3A_265 = arith.constant 2 : i32
        %sub3A_266 = arith.subi %add3A_161, %sub3A_265 : i32
        %mul3A_267 = arith.constant 4 : i32
        %mul3A_268 = arith.muli %sub3A_266, %mul3A_267 : i32
        %add3A_269 = arith.addi %mul3A_2, %mul3A_268 : i32
        %mul3A_270 = arith.constant 4096 : i32
        %mul3A_271 = arith.muli %add3A_269, %mul3A_270 : i32
        %dma_wait3A_272 = tpu.memref_slice %arg4[%mul3A_271] : memref<67108864xf32, #tpu.memory_space<hbm>> -> memref<16384xf32, #tpu.memory_space<hbm>>
        %dma_wait3A_273 = tpu.memref_slice %arg4[%mul3A_271] : memref<67108864xf32, #tpu.memory_space<hbm>> -> memref<16384xf32, #tpu.memory_space<hbm>>
        tpu.wait_dma2 semaphore(%arg17 : memref<!tpu.dma_semaphore, #tpu.memory_space<semaphore_mem>>) src(%arg11 : memref<16384xf32, #tpu.memory_space<vmem>>) dst(%dma_wait3A_273 : memref<16384xf32, #tpu.memory_space<hbm>>)
      } else {
      }
      %parallel_loop3A_185 = arith.constant 0 : i32
      %parallel_loop3A_186 = arith.constant 256 : i32
      %parallel_loop3A_187 = arith.constant 1 : i32
      scf.for %parallel_loop3A_265 = %parallel_loop3A_185 to %parallel_loop3A_186 step %parallel_loop3A_187  : i32 {
        %parallel_loop3A_266 = arith.constant 16 : i32
        %parallel_loop3A_267 = arith.muli %parallel_loop3A_265, %parallel_loop3A_266 : i32
        %parallel_loop3A_268 = arith.index_cast %parallel_loop3A_267 : i32 to index
        %parallel_loop3A_269 = tpu.vector_load %arg5[%parallel_loop3A_268] {strides = array<i32>} : memref<4096xi32, #tpu.memory_space<vmem>>, vector<16xi32>,
        %parallel_loop3A_270 = arith.constant 0 : i32
        %parallel_loop3A_271 = vector.broadcast %parallel_loop3A_270 : i32 to vector<16xi32>
        %parallel_loop3A_272 = arith.addi %parallel_loop3A_269, %parallel_loop3A_271 : vector<16xi32>
        %parallel_loop3A_273 = tpu.vector_load_idx %arg7[%parallel_loop3A_272] : memref<16384xf32, #tpu.memory_space<vmem>>[vector<16xi32>], vector<16xf32>,
        %parallel_loop3A_274 = arith.constant 0 : i32
        %parallel_loop3A_275 = arith.addi %parallel_loop3A_274, %parallel_loop3A_267 : i32
        %parallel_loop3A_276 = arith.index_cast %parallel_loop3A_275 : i32 to index
        %parallel_loop3A_277 = tpu.vector_load %arg11[%parallel_loop3A_276] {strides = array<i32>} : memref<16384xf32, #tpu.memory_space<vmem>>, vector<16xf32>,
        tpu.vector_store %arg11[%parallel_loop3A_276], %parallel_loop3A_273 {strides = array<i32>} : memref<16384xf32, #tpu.memory_space<vmem>>, vector<16xf32>,
        %parallel_loop3A_278 = arith.constant 4096 : i32
        %parallel_loop3A_279 = vector.broadcast %parallel_loop3A_278 : i32 to vector<16xi32>
        %parallel_loop3A_280 = arith.addi %parallel_loop3A_269, %parallel_loop3A_279 : vector<16xi32>
        %parallel_loop3A_281 = tpu.vector_load_idx %arg7[%parallel_loop3A_280] : memref<16384xf32, #tpu.memory_space<vmem>>[vector<16xi32>], vector<16xf32>,
        %parallel_loop3A_282 = arith.constant 4096 : i32
        %parallel_loop3A_283 = arith.addi %parallel_loop3A_282, %parallel_loop3A_267 : i32
        %parallel_loop3A_284 = arith.index_cast %parallel_loop3A_283 : i32 to index
        %parallel_loop3A_285 = tpu.vector_load %arg11[%parallel_loop3A_284] {strides = array<i32>} : memref<16384xf32, #tpu.memory_space<vmem>>, vector<16xf32>,
        tpu.vector_store %arg11[%parallel_loop3A_284], %parallel_loop3A_281 {strides = array<i32>} : memref<16384xf32, #tpu.memory_space<vmem>>, vector<16xf32>,
        %parallel_loop3A_286 = arith.constant 8192 : i32
        %parallel_loop3A_287 = vector.broadcast %parallel_loop3A_286 : i32 to vector<16xi32>
        %parallel_loop3A_288 = arith.addi %parallel_loop3A_269, %parallel_loop3A_287 : vector<16xi32>
        %parallel_loop3A_289 = tpu.vector_load_idx %arg7[%parallel_loop3A_288] : memref<16384xf32, #tpu.memory_space<vmem>>[vector<16xi32>], vector<16xf32>,
        %parallel_loop3A_290 = arith.constant 8192 : i32
        %parallel_loop3A_291 = arith.addi %parallel_loop3A_290, %parallel_loop3A_267 : i32
        %parallel_loop3A_292 = arith.index_cast %parallel_loop3A_291 : i32 to index
        %parallel_loop3A_293 = tpu.vector_load %arg11[%parallel_loop3A_292] {strides = array<i32>} : memref<16384xf32, #tpu.memory_space<vmem>>, vector<16xf32>,
        tpu.vector_store %arg11[%parallel_loop3A_292], %parallel_loop3A_289 {strides = array<i32>} : memref<16384xf32, #tpu.memory_space<vmem>>, vector<16xf32>,
        %parallel_loop3A_294 = arith.constant 12288 : i32
        %parallel_loop3A_295 = vector.broadcast %parallel_loop3A_294 : i32 to vector<16xi32>
        %parallel_loop3A_296 = arith.addi %parallel_loop3A_269, %parallel_loop3A_295 : vector<16xi32>
        %parallel_loop3A_297 = tpu.vector_load_idx %arg7[%parallel_loop3A_296] : memref<16384xf32, #tpu.memory_space<vmem>>[vector<16xi32>], vector<16xf32>,
        %parallel_loop3A_298 = arith.constant 12288 : i32
        %parallel_loop3A_299 = arith.addi %parallel_loop3A_298, %parallel_loop3A_267 : i32
        %parallel_loop3A_300 = arith.index_cast %parallel_loop3A_299 : i32 to index
        %parallel_loop3A_301 = tpu.vector_load %arg11[%parallel_loop3A_300] {strides = array<i32>} : memref<16384xf32, #tpu.memory_space<vmem>>, vector<16xf32>,
        tpu.vector_store %arg11[%parallel_loop3A_300], %parallel_loop3A_297 {strides = array<i32>} : memref<16384xf32, #tpu.memory_space<vmem>>, vector<16xf32>,
      } {sc.loop_unroll_factor = 4 : i64, sc.parallel_access}
      %mul3A_188 = arith.constant 4 : i32
      %mul3A_189 = arith.muli %add3A_161, %mul3A_188 : i32
      %add3A_190 = arith.addi %mul3A_2, %mul3A_189 : i32
      %mul3A_191 = arith.constant 4096 : i32
      %mul3A_192 = arith.muli %add3A_190, %mul3A_191 : i32
      %dma_start3A_193 = tpu.memref_slice %arg4[%mul3A_192] : memref<67108864xf32, #tpu.memory_space<hbm>> -> memref<16384xf32, #tpu.memory_space<hbm>>
      %dma_start3A_194 = tpu.memref_slice %arg4[%mul3A_192] : memref<67108864xf32, #tpu.memory_space<hbm>> -> memref<16384xf32, #tpu.memory_space<hbm>>
      tpu.enqueue_dma source(%arg11 : memref<16384xf32, #tpu.memory_space<vmem>>) target(%dma_start3A_194 : memref<16384xf32, #tpu.memory_space<hbm>>) target_semaphore(%arg17 : memref<!tpu.dma_semaphore, #tpu.memory_space<semaphore_mem>>)
      %add3A_195 = arith.constant 2 : i32
      %add3A_196 = arith.addi %add3A_128, %add3A_195 : i32
      %mul3A_197 = arith.constant 4 : i32
      %mul3A_198 = arith.muli %add3A_196, %mul3A_197 : i32
      %add3A_199 = arith.addi %mul3A_2, %mul3A_198 : i32
      %mul3A_200 = arith.constant 4096 : i32
      %mul3A_201 = arith.muli %add3A_199, %mul3A_200 : i32
      %dma_wait3A_202 = tpu.memref_slice %arg2[%mul3A_201] : memref<67108864xf32, #tpu.memory_space<hbm>> -> memref<16384xf32, #tpu.memory_space<hbm>>
      %dma_wait3A_203 = tpu.memref_slice %arg2[%mul3A_201] : memref<67108864xf32, #tpu.memory_space<hbm>> -> memref<16384xf32, #tpu.memory_space<hbm>>
      tpu.wait_dma2 semaphore(%arg14 : memref<!tpu.dma_semaphore, #tpu.memory_space<semaphore_mem>>) src(%dma_wait3A_203 : memref<16384xf32, #tpu.memory_space<hbm>>) dst(%arg8 : memref<16384xf32, #tpu.memory_space<vmem>>)
      %add3A_204 = arith.constant 4 : i32
      %add3A_205 = arith.addi %add3A_196, %add3A_204 : i32
      %sub3A_206 = arith.constant 1 : i32
      %sub3A_207 = arith.subi %add3A_205, %sub3A_206 : i32
      %mul3A_208 = arith.constant 4 : i32
      %mul3A_209 = arith.muli %sub3A_207, %mul3A_208 : i32
      %add3A_210 = arith.addi %mul3A_2, %mul3A_209 : i32
      %mul3A_211 = arith.constant 4096 : i32
      %mul3A_212 = arith.muli %add3A_210, %mul3A_211 : i32
      %dma_start3A_213 = tpu.memref_slice %arg2[%mul3A_212] : memref<67108864xf32, #tpu.memory_space<hbm>> -> memref<16384xf32, #tpu.memory_space<hbm>>
      %dma_start3A_214 = tpu.memref_slice %arg2[%mul3A_212] : memref<67108864xf32, #tpu.memory_space<hbm>> -> memref<16384xf32, #tpu.memory_space<hbm>>
      tpu.enqueue_dma source(%dma_start3A_214 : memref<16384xf32, #tpu.memory_space<hbm>>) target(%arg7 : memref<16384xf32, #tpu.memory_space<vmem>>) target_semaphore(%arg13 : memref<!tpu.dma_semaphore, #tpu.memory_space<semaphore_mem>>)
      %ge3A_215 = arith.constant 2 : i32
      %ge3A_216 = arith.cmpi sge, %add3A_196, %ge3A_215 : i32
      %convert_element_type3A_217 = arith.extui %ge3A_216 : i1 to i32
      %cond3A_218 = arith.constant 0 : i32
      %cond3A_219 = arith.cmpi ne, %convert_element_type3A_217, %cond3A_218 : i32
      scf.if %cond3A_219 {
        %sub3A_265 = arith.constant 2 : i32
        %sub3A_266 = arith.subi %add3A_196, %sub3A_265 : i32
        %mul3A_267 = arith.constant 4 : i32
        %mul3A_268 = arith.muli %sub3A_266, %mul3A_267 : i32
        %add3A_269 = arith.addi %mul3A_2, %mul3A_268 : i32
        %mul3A_270 = arith.constant 4096 : i32
        %mul3A_271 = arith.muli %add3A_269, %mul3A_270 : i32
        %dma_wait3A_272 = tpu.memref_slice %arg4[%mul3A_271] : memref<67108864xf32, #tpu.memory_space<hbm>> -> memref<16384xf32, #tpu.memory_space<hbm>>
        %dma_wait3A_273 = tpu.memref_slice %arg4[%mul3A_271] : memref<67108864xf32, #tpu.memory_space<hbm>> -> memref<16384xf32, #tpu.memory_space<hbm>>
        tpu.wait_dma2 semaphore(%arg16 : memref<!tpu.dma_semaphore, #tpu.memory_space<semaphore_mem>>) src(%arg10 : memref<16384xf32, #tpu.memory_space<vmem>>) dst(%dma_wait3A_273 : memref<16384xf32, #tpu.memory_space<hbm>>)
      } else {
      }
      %parallel_loop3A_220 = arith.constant 0 : i32
      %parallel_loop3A_221 = arith.constant 256 : i32
      %parallel_loop3A_222 = arith.constant 1 : i32
      scf.for %parallel_loop3A_265 = %parallel_loop3A_220 to %parallel_loop3A_221 step %parallel_loop3A_222  : i32 {
        %parallel_loop3A_266 = arith.constant 16 : i32
        %parallel_loop3A_267 = arith.muli %parallel_loop3A_265, %parallel_loop3A_266 : i32
        %parallel_loop3A_268 = arith.index_cast %parallel_loop3A_267 : i32 to index
        %parallel_loop3A_269 = tpu.vector_load %arg5[%parallel_loop3A_268] {strides = array<i32>} : memref<4096xi32, #tpu.memory_space<vmem>>, vector<16xi32>,
        %parallel_loop3A_270 = arith.constant 0 : i32
        %parallel_loop3A_271 = vector.broadcast %parallel_loop3A_270 : i32 to vector<16xi32>
        %parallel_loop3A_272 = arith.addi %parallel_loop3A_269, %parallel_loop3A_271 : vector<16xi32>
        %parallel_loop3A_273 = tpu.vector_load_idx %arg8[%parallel_loop3A_272] : memref<16384xf32, #tpu.memory_space<vmem>>[vector<16xi32>], vector<16xf32>,
        %parallel_loop3A_274 = arith.constant 0 : i32
        %parallel_loop3A_275 = arith.addi %parallel_loop3A_274, %parallel_loop3A_267 : i32
        %parallel_loop3A_276 = arith.index_cast %parallel_loop3A_275 : i32 to index
        %parallel_loop3A_277 = tpu.vector_load %arg10[%parallel_loop3A_276] {strides = array<i32>} : memref<16384xf32, #tpu.memory_space<vmem>>, vector<16xf32>,
        tpu.vector_store %arg10[%parallel_loop3A_276], %parallel_loop3A_273 {strides = array<i32>} : memref<16384xf32, #tpu.memory_space<vmem>>, vector<16xf32>,
        %parallel_loop3A_278 = arith.constant 4096 : i32
        %parallel_loop3A_279 = vector.broadcast %parallel_loop3A_278 : i32 to vector<16xi32>
        %parallel_loop3A_280 = arith.addi %parallel_loop3A_269, %parallel_loop3A_279 : vector<16xi32>
        %parallel_loop3A_281 = tpu.vector_load_idx %arg8[%parallel_loop3A_280] : memref<16384xf32, #tpu.memory_space<vmem>>[vector<16xi32>], vector<16xf32>,
        %parallel_loop3A_282 = arith.constant 4096 : i32
        %parallel_loop3A_283 = arith.addi %parallel_loop3A_282, %parallel_loop3A_267 : i32
        %parallel_loop3A_284 = arith.index_cast %parallel_loop3A_283 : i32 to index
        %parallel_loop3A_285 = tpu.vector_load %arg10[%parallel_loop3A_284] {strides = array<i32>} : memref<16384xf32, #tpu.memory_space<vmem>>, vector<16xf32>,
        tpu.vector_store %arg10[%parallel_loop3A_284], %parallel_loop3A_281 {strides = array<i32>} : memref<16384xf32, #tpu.memory_space<vmem>>, vector<16xf32>,
        %parallel_loop3A_286 = arith.constant 8192 : i32
        %parallel_loop3A_287 = vector.broadcast %parallel_loop3A_286 : i32 to vector<16xi32>
        %parallel_loop3A_288 = arith.addi %parallel_loop3A_269, %parallel_loop3A_287 : vector<16xi32>
        %parallel_loop3A_289 = tpu.vector_load_idx %arg8[%parallel_loop3A_288] : memref<16384xf32, #tpu.memory_space<vmem>>[vector<16xi32>], vector<16xf32>,
        %parallel_loop3A_290 = arith.constant 8192 : i32
        %parallel_loop3A_291 = arith.addi %parallel_loop3A_290, %parallel_loop3A_267 : i32
        %parallel_loop3A_292 = arith.index_cast %parallel_loop3A_291 : i32 to index
        %parallel_loop3A_293 = tpu.vector_load %arg10[%parallel_loop3A_292] {strides = array<i32>} : memref<16384xf32, #tpu.memory_space<vmem>>, vector<16xf32>,
        tpu.vector_store %arg10[%parallel_loop3A_292], %parallel_loop3A_289 {strides = array<i32>} : memref<16384xf32, #tpu.memory_space<vmem>>, vector<16xf32>,
        %parallel_loop3A_294 = arith.constant 12288 : i32
        %parallel_loop3A_295 = vector.broadcast %parallel_loop3A_294 : i32 to vector<16xi32>
        %parallel_loop3A_296 = arith.addi %parallel_loop3A_269, %parallel_loop3A_295 : vector<16xi32>
        %parallel_loop3A_297 = tpu.vector_load_idx %arg8[%parallel_loop3A_296] : memref<16384xf32, #tpu.memory_space<vmem>>[vector<16xi32>], vector<16xf32>,
        %parallel_loop3A_298 = arith.constant 12288 : i32
        %parallel_loop3A_299 = arith.addi %parallel_loop3A_298, %parallel_loop3A_267 : i32
        %parallel_loop3A_300 = arith.index_cast %parallel_loop3A_299 : i32 to index
        %parallel_loop3A_301 = tpu.vector_load %arg10[%parallel_loop3A_300] {strides = array<i32>} : memref<16384xf32, #tpu.memory_space<vmem>>, vector<16xf32>,
        tpu.vector_store %arg10[%parallel_loop3A_300], %parallel_loop3A_297 {strides = array<i32>} : memref<16384xf32, #tpu.memory_space<vmem>>, vector<16xf32>,
      } {sc.loop_unroll_factor = 4 : i64, sc.parallel_access}
      %mul3A_223 = arith.constant 4 : i32
      %mul3A_224 = arith.muli %add3A_196, %mul3A_223 : i32
      %add3A_225 = arith.addi %mul3A_2, %mul3A_224 : i32
      %mul3A_226 = arith.constant 4096 : i32
      %mul3A_227 = arith.muli %add3A_225, %mul3A_226 : i32
      %dma_start3A_228 = tpu.memref_slice %arg4[%mul3A_227] : memref<67108864xf32, #tpu.memory_space<hbm>> -> memref<16384xf32, #tpu.memory_space<hbm>>
      %dma_start3A_229 = tpu.memref_slice %arg4[%mul3A_227] : memref<67108864xf32, #tpu.memory_space<hbm>> -> memref<16384xf32, #tpu.memory_space<hbm>>
      tpu.enqueue_dma source(%arg10 : memref<16384xf32, #tpu.memory_space<vmem>>) target(%dma_start3A_229 : memref<16384xf32, #tpu.memory_space<hbm>>) target_semaphore(%arg16 : memref<!tpu.dma_semaphore, #tpu.memory_space<semaphore_mem>>)
      %add3A_230 = arith.constant 3 : i32
      %add3A_231 = arith.addi %add3A_128, %add3A_230 : i32
      %mul3A_232 = arith.constant 4 : i32
      %mul3A_233 = arith.muli %add3A_231, %mul3A_232 : i32
      %add3A_234 = arith.addi %mul3A_2, %mul3A_233 : i32
      %mul3A_235 = arith.constant 4096 : i32
      %mul3A_236 = arith.muli %add3A_234, %mul3A_235 : i32
      %dma_wait3A_237 = tpu.memref_slice %arg2[%mul3A_236] : memref<67108864xf32, #tpu.memory_space<hbm>> -> memref<16384xf32, #tpu.memory_space<hbm>>
      %dma_wait3A_238 = tpu.memref_slice %arg2[%mul3A_236] : memref<67108864xf32, #tpu.memory_space<hbm>> -> memref<16384xf32, #tpu.memory_space<hbm>>
      tpu.wait_dma2 semaphore(%arg15 : memref<!tpu.dma_semaphore, #tpu.memory_space<semaphore_mem>>) src(%dma_wait3A_238 : memref<16384xf32, #tpu.memory_space<hbm>>) dst(%arg9 : memref<16384xf32, #tpu.memory_space<vmem>>)
      %add3A_239 = arith.constant 4 : i32
      %add3A_240 = arith.addi %add3A_231, %add3A_239 : i32
      %sub3A_241 = arith.constant 1 : i32
      %sub3A_242 = arith.subi %add3A_240, %sub3A_241 : i32
      %mul3A_243 = arith.constant 4 : i32
      %mul3A_244 = arith.muli %sub3A_242, %mul3A_243 : i32
      %add3A_245 = arith.addi %mul3A_2, %mul3A_244 : i32
      %mul3A_246 = arith.constant 4096 : i32
      %mul3A_247 = arith.muli %add3A_245, %mul3A_246 : i32
      %dma_start3A_248 = tpu.memref_slice %arg2[%mul3A_247] : memref<67108864xf32, #tpu.memory_space<hbm>> -> memref<16384xf32, #tpu.memory_space<hbm>>
      %dma_start3A_249 = tpu.memref_slice %arg2[%mul3A_247] : memref<67108864xf32, #tpu.memory_space<hbm>> -> memref<16384xf32, #tpu.memory_space<hbm>>
      tpu.enqueue_dma source(%dma_start3A_249 : memref<16384xf32, #tpu.memory_space<hbm>>) target(%arg8 : memref<16384xf32, #tpu.memory_space<vmem>>) target_semaphore(%arg14 : memref<!tpu.dma_semaphore, #tpu.memory_space<semaphore_mem>>)
      %ge3A_250 = arith.constant 2 : i32
      %ge3A_251 = arith.cmpi sge, %add3A_231, %ge3A_250 : i32
      %convert_element_type3A_252 = arith.extui %ge3A_251 : i1 to i32
      %cond3A_253 = arith.constant 0 : i32
      %cond3A_254 = arith.cmpi ne, %convert_element_type3A_252, %cond3A_253 : i32
      scf.if %cond3A_254 {
        %sub3A_265 = arith.constant 2 : i32
        %sub3A_266 = arith.subi %add3A_231, %sub3A_265 : i32
        %mul3A_267 = arith.constant 4 : i32
        %mul3A_268 = arith.muli %sub3A_266, %mul3A_267 : i32
        %add3A_269 = arith.addi %mul3A_2, %mul3A_268 : i32
        %mul3A_270 = arith.constant 4096 : i32
        %mul3A_271 = arith.muli %add3A_269, %mul3A_270 : i32
        %dma_wait3A_272 = tpu.memref_slice %arg4[%mul3A_271] : memref<67108864xf32, #tpu.memory_space<hbm>> -> memref<16384xf32, #tpu.memory_space<hbm>>
        %dma_wait3A_273 = tpu.memref_slice %arg4[%mul3A_271] : memref<67108864xf32, #tpu.memory_space<hbm>> -> memref<16384xf32, #tpu.memory_space<hbm>>
        tpu.wait_dma2 semaphore(%arg17 : memref<!tpu.dma_semaphore, #tpu.memory_space<semaphore_mem>>) src(%arg11 : memref<16384xf32, #tpu.memory_space<vmem>>) dst(%dma_wait3A_273 : memref<16384xf32, #tpu.memory_space<hbm>>)
      } else {
      }
      %parallel_loop3A_255 = arith.constant 0 : i32
      %parallel_loop3A_256 = arith.constant 256 : i32
      %parallel_loop3A_257 = arith.constant 1 : i32
      scf.for %parallel_loop3A_265 = %parallel_loop3A_255 to %parallel_loop3A_256 step %parallel_loop3A_257  : i32 {
        %parallel_loop3A_266 = arith.constant 16 : i32
        %parallel_loop3A_267 = arith.muli %parallel_loop3A_265, %parallel_loop3A_266 : i32
        %parallel_loop3A_268 = arith.index_cast %parallel_loop3A_267 : i32 to index
        %parallel_loop3A_269 = tpu.vector_load %arg5[%parallel_loop3A_268] {strides = array<i32>} : memref<4096xi32, #tpu.memory_space<vmem>>, vector<16xi32>,
        %parallel_loop3A_270 = arith.constant 0 : i32
        %parallel_loop3A_271 = vector.broadcast %parallel_loop3A_270 : i32 to vector<16xi32>
        %parallel_loop3A_272 = arith.addi %parallel_loop3A_269, %parallel_loop3A_271 : vector<16xi32>
        %parallel_loop3A_273 = tpu.vector_load_idx %arg9[%parallel_loop3A_272] : memref<16384xf32, #tpu.memory_space<vmem>>[vector<16xi32>], vector<16xf32>,
        %parallel_loop3A_274 = arith.constant 0 : i32
        %parallel_loop3A_275 = arith.addi %parallel_loop3A_274, %parallel_loop3A_267 : i32
        %parallel_loop3A_276 = arith.index_cast %parallel_loop3A_275 : i32 to index
        %parallel_loop3A_277 = tpu.vector_load %arg11[%parallel_loop3A_276] {strides = array<i32>} : memref<16384xf32, #tpu.memory_space<vmem>>, vector<16xf32>,
        tpu.vector_store %arg11[%parallel_loop3A_276], %parallel_loop3A_273 {strides = array<i32>} : memref<16384xf32, #tpu.memory_space<vmem>>, vector<16xf32>,
        %parallel_loop3A_278 = arith.constant 4096 : i32
        %parallel_loop3A_279 = vector.broadcast %parallel_loop3A_278 : i32 to vector<16xi32>
        %parallel_loop3A_280 = arith.addi %parallel_loop3A_269, %parallel_loop3A_279 : vector<16xi32>
        %parallel_loop3A_281 = tpu.vector_load_idx %arg9[%parallel_loop3A_280] : memref<16384xf32, #tpu.memory_space<vmem>>[vector<16xi32>], vector<16xf32>,
        %parallel_loop3A_282 = arith.constant 4096 : i32
        %parallel_loop3A_283 = arith.addi %parallel_loop3A_282, %parallel_loop3A_267 : i32
        %parallel_loop3A_284 = arith.index_cast %parallel_loop3A_283 : i32 to index
        %parallel_loop3A_285 = tpu.vector_load %arg11[%parallel_loop3A_284] {strides = array<i32>} : memref<16384xf32, #tpu.memory_space<vmem>>, vector<16xf32>,
        tpu.vector_store %arg11[%parallel_loop3A_284], %parallel_loop3A_281 {strides = array<i32>} : memref<16384xf32, #tpu.memory_space<vmem>>, vector<16xf32>,
        %parallel_loop3A_286 = arith.constant 8192 : i32
        %parallel_loop3A_287 = vector.broadcast %parallel_loop3A_286 : i32 to vector<16xi32>
        %parallel_loop3A_288 = arith.addi %parallel_loop3A_269, %parallel_loop3A_287 : vector<16xi32>
        %parallel_loop3A_289 = tpu.vector_load_idx %arg9[%parallel_loop3A_288] : memref<16384xf32, #tpu.memory_space<vmem>>[vector<16xi32>], vector<16xf32>,
        %parallel_loop3A_290 = arith.constant 8192 : i32
        %parallel_loop3A_291 = arith.addi %parallel_loop3A_290, %parallel_loop3A_267 : i32
        %parallel_loop3A_292 = arith.index_cast %parallel_loop3A_291 : i32 to index
        %parallel_loop3A_293 = tpu.vector_load %arg11[%parallel_loop3A_292] {strides = array<i32>} : memref<16384xf32, #tpu.memory_space<vmem>>, vector<16xf32>,
        tpu.vector_store %arg11[%parallel_loop3A_292], %parallel_loop3A_289 {strides = array<i32>} : memref<16384xf32, #tpu.memory_space<vmem>>, vector<16xf32>,
        %parallel_loop3A_294 = arith.constant 12288 : i32
        %parallel_loop3A_295 = vector.broadcast %parallel_loop3A_294 : i32 to vector<16xi32>
        %parallel_loop3A_296 = arith.addi %parallel_loop3A_269, %parallel_loop3A_295 : vector<16xi32>
        %parallel_loop3A_297 = tpu.vector_load_idx %arg9[%parallel_loop3A_296] : memref<16384xf32, #tpu.memory_space<vmem>>[vector<16xi32>], vector<16xf32>,
        %parallel_loop3A_298 = arith.constant 12288 : i32
        %parallel_loop3A_299 = arith.addi %parallel_loop3A_298, %parallel_loop3A_267 : i32
        %parallel_loop3A_300 = arith.index_cast %parallel_loop3A_299 : i32 to index
        %parallel_loop3A_301 = tpu.vector_load %arg11[%parallel_loop3A_300] {strides = array<i32>} : memref<16384xf32, #tpu.memory_space<vmem>>, vector<16xf32>,
        tpu.vector_store %arg11[%parallel_loop3A_300], %parallel_loop3A_297 {strides = array<i32>} : memref<16384xf32, #tpu.memory_space<vmem>>, vector<16xf32>,
      } {sc.loop_unroll_factor = 4 : i64, sc.parallel_access}
      %mul3A_258 = arith.constant 4 : i32
      %mul3A_259 = arith.muli %add3A_231, %mul3A_258 : i32
      %add3A_260 = arith.addi %mul3A_2, %mul3A_259 : i32
      %mul3A_261 = arith.constant 4096 : i32
      %mul3A_262 = arith.muli %add3A_260, %mul3A_261 : i32
      %dma_start3A_263 = tpu.memref_slice %arg4[%mul3A_262] : memref<67108864xf32, #tpu.memory_space<hbm>> -> memref<16384xf32, #tpu.memory_space<hbm>>
      %dma_start3A_264 = tpu.memref_slice %arg4[%mul3A_262] : memref<67108864xf32, #tpu.memory_space<hbm>> -> memref<16384xf32, #tpu.memory_space<hbm>>
      tpu.enqueue_dma source(%arg11 : memref<16384xf32, #tpu.memory_space<vmem>>) target(%dma_start3A_264 : memref<16384xf32, #tpu.memory_space<hbm>>) target_semaphore(%arg17 : memref<!tpu.dma_semaphore, #tpu.memory_space<semaphore_mem>>)
    }
    %scan3A_23 = arith.constant 31 : i32
    %add3A_24 = arith.constant 496 : i32
    %add3A_25 = arith.addi %mul3A_2, %add3A_24 : i32
    %mul3A_26 = arith.constant 4096 : i32
    %mul3A_27 = arith.muli %add3A_25, %mul3A_26 : i32
    %dma_wait3A = tpu.memref_slice %arg2[%mul3A_27] : memref<67108864xf32, #tpu.memory_space<hbm>> -> memref<16384xf32, #tpu.memory_space<hbm>>
    %dma_wait3A_28 = tpu.memref_slice %arg2[%mul3A_27] : memref<67108864xf32, #tpu.memory_space<hbm>> -> memref<16384xf32, #tpu.memory_space<hbm>>
    tpu.wait_dma2 semaphore(%arg12 : memref<!tpu.dma_semaphore, #tpu.memory_space<semaphore_mem>>) src(%dma_wait3A_28 : memref<16384xf32, #tpu.memory_space<hbm>>) dst(%arg6 : memref<16384xf32, #tpu.memory_space<vmem>>)
    %add3A_29 = arith.constant 508 : i32
    %add3A_30 = arith.addi %mul3A_2, %add3A_29 : i32
    %mul3A_31 = arith.constant 4096 : i32
    %mul3A_32 = arith.muli %add3A_30, %mul3A_31 : i32
    %dma_start3A_33 = tpu.memref_slice %arg2[%mul3A_32] : memref<67108864xf32, #tpu.memory_space<hbm>> -> memref<16384xf32, #tpu.memory_space<hbm>>
    %dma_start3A_34 = tpu.memref_slice %arg2[%mul3A_32] : memref<67108864xf32, #tpu.memory_space<hbm>> -> memref<16384xf32, #tpu.memory_space<hbm>>
    tpu.enqueue_dma source(%dma_start3A_34 : memref<16384xf32, #tpu.memory_space<hbm>>) target(%arg9 : memref<16384xf32, #tpu.memory_space<vmem>>) target_semaphore(%arg15 : memref<!tpu.dma_semaphore, #tpu.memory_space<semaphore_mem>>)
    %add3A_35 = arith.constant 488 : i32
    %add3A_36 = arith.addi %mul3A_2, %add3A_35 : i32
    %mul3A_37 = arith.constant 4096 : i32
    %mul3A_38 = arith.muli %add3A_36, %mul3A_37 : i32
    %dma_wait3A_39 = tpu.memref_slice %arg4[%mul3A_38] : memref<67108864xf32, #tpu.memory_space<hbm>> -> memref<16384xf32, #tpu.memory_space<hbm>>
    %dma_wait3A_40 = tpu.memref_slice %arg4[%mul3A_38] : memref<67108864xf32, #tpu.memory_space<hbm>> -> memref<16384xf32, #tpu.memory_space<hbm>>
    tpu.wait_dma2 semaphore(%arg16 : memref<!tpu.dma_semaphore, #tpu.memory_space<semaphore_mem>>) src(%arg10 : memref<16384xf32, #tpu.memory_space<vmem>>) dst(%dma_wait3A_40 : memref<16384xf32, #tpu.memory_space<hbm>>)
    %parallel_loop3A = arith.constant 0 : i32
    %parallel_loop3A_41 = arith.constant 256 : i32
    %parallel_loop3A_42 = arith.constant 1 : i32
    scf.for %parallel_loop3A_124 = %parallel_loop3A to %parallel_loop3A_41 step %parallel_loop3A_42  : i32 {
      %parallel_loop3A_125 = arith.constant 16 : i32
      %parallel_loop3A_126 = arith.muli %parallel_loop3A_124, %parallel_loop3A_125 : i32
      %parallel_loop3A_127 = arith.index_cast %parallel_loop3A_126 : i32 to index
      %parallel_loop3A_128 = tpu.vector_load %arg5[%parallel_loop3A_127] {strides = array<i32>} : memref<4096xi32, #tpu.memory_space<vmem>>, vector<16xi32>,
      %parallel_loop3A_129 = arith.constant 0 : i32
      %parallel_loop3A_130 = vector.broadcast %parallel_loop3A_129 : i32 to vector<16xi32>
      %parallel_loop3A_131 = arith.addi %parallel_loop3A_128, %parallel_loop3A_130 : vector<16xi32>
      %parallel_loop3A_132 = tpu.vector_load_idx %arg6[%parallel_loop3A_131] : memref<16384xf32, #tpu.memory_space<vmem>>[vector<16xi32>], vector<16xf32>,
      %parallel_loop3A_133 = arith.constant 0 : i32
      %parallel_loop3A_134 = arith.addi %parallel_loop3A_133, %parallel_loop3A_126 : i32
      %parallel_loop3A_135 = arith.index_cast %parallel_loop3A_134 : i32 to index
      %parallel_loop3A_136 = tpu.vector_load %arg10[%parallel_loop3A_135] {strides = array<i32>} : memref<16384xf32, #tpu.memory_space<vmem>>, vector<16xf32>,
      tpu.vector_store %arg10[%parallel_loop3A_135], %parallel_loop3A_132 {strides = array<i32>} : memref<16384xf32, #tpu.memory_space<vmem>>, vector<16xf32>,
      %parallel_loop3A_137 = arith.constant 4096 : i32
      %parallel_loop3A_138 = vector.broadcast %parallel_loop3A_137 : i32 to vector<16xi32>
      %parallel_loop3A_139 = arith.addi %parallel_loop3A_128, %parallel_loop3A_138 : vector<16xi32>
      %parallel_loop3A_140 = tpu.vector_load_idx %arg6[%parallel_loop3A_139] : memref<16384xf32, #tpu.memory_space<vmem>>[vector<16xi32>], vector<16xf32>,
      %parallel_loop3A_141 = arith.constant 4096 : i32
      %parallel_loop3A_142 = arith.addi %parallel_loop3A_141, %parallel_loop3A_126 : i32
      %parallel_loop3A_143 = arith.index_cast %parallel_loop3A_142 : i32 to index
      %parallel_loop3A_144 = tpu.vector_load %arg10[%parallel_loop3A_143] {strides = array<i32>} : memref<16384xf32, #tpu.memory_space<vmem>>, vector<16xf32>,
      tpu.vector_store %arg10[%parallel_loop3A_143], %parallel_loop3A_140 {strides = array<i32>} : memref<16384xf32, #tpu.memory_space<vmem>>, vector<16xf32>,
      %parallel_loop3A_145 = arith.constant 8192 : i32
      %parallel_loop3A_146 = vector.broadcast %parallel_loop3A_145 : i32 to vector<16xi32>
      %parallel_loop3A_147 = arith.addi %parallel_loop3A_128, %parallel_loop3A_146 : vector<16xi32>
      %parallel_loop3A_148 = tpu.vector_load_idx %arg6[%parallel_loop3A_147] : memref<16384xf32, #tpu.memory_space<vmem>>[vector<16xi32>], vector<16xf32>,
      %parallel_loop3A_149 = arith.constant 8192 : i32
      %parallel_loop3A_150 = arith.addi %parallel_loop3A_149, %parallel_loop3A_126 : i32
      %parallel_loop3A_151 = arith.index_cast %parallel_loop3A_150 : i32 to index
      %parallel_loop3A_152 = tpu.vector_load %arg10[%parallel_loop3A_151] {strides = array<i32>} : memref<16384xf32, #tpu.memory_space<vmem>>, vector<16xf32>,
      tpu.vector_store %arg10[%parallel_loop3A_151], %parallel_loop3A_148 {strides = array<i32>} : memref<16384xf32, #tpu.memory_space<vmem>>, vector<16xf32>,
      %parallel_loop3A_153 = arith.constant 12288 : i32
      %parallel_loop3A_154 = vector.broadcast %parallel_loop3A_153 : i32 to vector<16xi32>
      %parallel_loop3A_155 = arith.addi %parallel_loop3A_128, %parallel_loop3A_154 : vector<16xi32>
      %parallel_loop3A_156 = tpu.vector_load_idx %arg6[%parallel_loop3A_155] : memref<16384xf32, #tpu.memory_space<vmem>>[vector<16xi32>], vector<16xf32>,
      %parallel_loop3A_157 = arith.constant 12288 : i32
      %parallel_loop3A_158 = arith.addi %parallel_loop3A_157, %parallel_loop3A_126 : i32
      %parallel_loop3A_159 = arith.index_cast %parallel_loop3A_158 : i32 to index
      %parallel_loop3A_160 = tpu.vector_load %arg10[%parallel_loop3A_159] {strides = array<i32>} : memref<16384xf32, #tpu.memory_space<vmem>>, vector<16xf32>,
      tpu.vector_store %arg10[%parallel_loop3A_159], %parallel_loop3A_156 {strides = array<i32>} : memref<16384xf32, #tpu.memory_space<vmem>>, vector<16xf32>,
    } {sc.loop_unroll_factor = 4 : i64, sc.parallel_access}
    %add3A_43 = arith.constant 496 : i32
    %add3A_44 = arith.addi %mul3A_2, %add3A_43 : i32
    %mul3A_45 = arith.constant 4096 : i32
    %mul3A_46 = arith.muli %add3A_44, %mul3A_45 : i32
    %dma_start3A_47 = tpu.memref_slice %arg4[%mul3A_46] : memref<67108864xf32, #tpu.memory_space<hbm>> -> memref<16384xf32, #tpu.memory_space<hbm>>
    %dma_start3A_48 = tpu.memref_slice %arg4[%mul3A_46] : memref<67108864xf32, #tpu.memory_space<hbm>> -> memref<16384xf32, #tpu.memory_space<hbm>>
    tpu.enqueue_dma source(%arg10 : memref<16384xf32, #tpu.memory_space<vmem>>) target(%dma_start3A_48 : memref<16384xf32, #tpu.memory_space<hbm>>) target_semaphore(%arg16 : memref<!tpu.dma_semaphore, #tpu.memory_space<semaphore_mem>>)
    %add3A_49 = arith.constant 500 : i32
    %add3A_50 = arith.addi %mul3A_2, %add3A_49 : i32
    %mul3A_51 = arith.constant 4096 : i32
    %mul3A_52 = arith.muli %add3A_50, %mul3A_51 : i32
    %dma_wait3A_53 = tpu.memref_slice %arg2[%mul3A_52] : memref<67108864xf32, #tpu.memory_space<hbm>> -> memref<16384xf32, #tpu.memory_space<hbm>>
    %dma_wait3A_54 = tpu.memref_slice %arg2[%mul3A_52] : memref<67108864xf32, #tpu.memory_space<hbm>> -> memref<16384xf32, #tpu.memory_space<hbm>>
    tpu.wait_dma2 semaphore(%arg13 : memref<!tpu.dma_semaphore, #tpu.memory_space<semaphore_mem>>) src(%dma_wait3A_54 : memref<16384xf32, #tpu.memory_space<hbm>>) dst(%arg7 : memref<16384xf32, #tpu.memory_space<vmem>>)
    %add3A_55 = arith.constant 492 : i32
    %add3A_56 = arith.addi %mul3A_2, %add3A_55 : i32
    %mul3A_57 = arith.constant 4096 : i32
    %mul3A_58 = arith.muli %add3A_56, %mul3A_57 : i32
    %dma_wait3A_59 = tpu.memref_slice %arg4[%mul3A_58] : memref<67108864xf32, #tpu.memory_space<hbm>> -> memref<16384xf32, #tpu.memory_space<hbm>>
    %dma_wait3A_60 = tpu.memref_slice %arg4[%mul3A_58] : memref<67108864xf32, #tpu.memory_space<hbm>> -> memref<16384xf32, #tpu.memory_space<hbm>>
    tpu.wait_dma2 semaphore(%arg17 : memref<!tpu.dma_semaphore, #tpu.memory_space<semaphore_mem>>) src(%arg11 : memref<16384xf32, #tpu.memory_space<vmem>>) dst(%dma_wait3A_60 : memref<16384xf32, #tpu.memory_space<hbm>>)
    %parallel_loop3A_61 = arith.constant 0 : i32
    %parallel_loop3A_62 = arith.constant 256 : i32
    %parallel_loop3A_63 = arith.constant 1 : i32
    scf.for %parallel_loop3A_124 = %parallel_loop3A_61 to %parallel_loop3A_62 step %parallel_loop3A_63  : i32 {
      %parallel_loop3A_125 = arith.constant 16 : i32
      %parallel_loop3A_126 = arith.muli %parallel_loop3A_124, %parallel_loop3A_125 : i32
      %parallel_loop3A_127 = arith.index_cast %parallel_loop3A_126 : i32 to index
      %parallel_loop3A_128 = tpu.vector_load %arg5[%parallel_loop3A_127] {strides = array<i32>} : memref<4096xi32, #tpu.memory_space<vmem>>, vector<16xi32>,
      %parallel_loop3A_129 = arith.constant 0 : i32
      %parallel_loop3A_130 = vector.broadcast %parallel_loop3A_129 : i32 to vector<16xi32>
      %parallel_loop3A_131 = arith.addi %parallel_loop3A_128, %parallel_loop3A_130 : vector<16xi32>
      %parallel_loop3A_132 = tpu.vector_load_idx %arg7[%parallel_loop3A_131] : memref<16384xf32, #tpu.memory_space<vmem>>[vector<16xi32>], vector<16xf32>,
      %parallel_loop3A_133 = arith.constant 0 : i32
      %parallel_loop3A_134 = arith.addi %parallel_loop3A_133, %parallel_loop3A_126 : i32
      %parallel_loop3A_135 = arith.index_cast %parallel_loop3A_134 : i32 to index
      %parallel_loop3A_136 = tpu.vector_load %arg11[%parallel_loop3A_135] {strides = array<i32>} : memref<16384xf32, #tpu.memory_space<vmem>>, vector<16xf32>,
      tpu.vector_store %arg11[%parallel_loop3A_135], %parallel_loop3A_132 {strides = array<i32>} : memref<16384xf32, #tpu.memory_space<vmem>>, vector<16xf32>,
      %parallel_loop3A_137 = arith.constant 4096 : i32
      %parallel_loop3A_138 = vector.broadcast %parallel_loop3A_137 : i32 to vector<16xi32>
      %parallel_loop3A_139 = arith.addi %parallel_loop3A_128, %parallel_loop3A_138 : vector<16xi32>
      %parallel_loop3A_140 = tpu.vector_load_idx %arg7[%parallel_loop3A_139] : memref<16384xf32, #tpu.memory_space<vmem>>[vector<16xi32>], vector<16xf32>,
      %parallel_loop3A_141 = arith.constant 4096 : i32
      %parallel_loop3A_142 = arith.addi %parallel_loop3A_141, %parallel_loop3A_126 : i32
      %parallel_loop3A_143 = arith.index_cast %parallel_loop3A_142 : i32 to index
      %parallel_loop3A_144 = tpu.vector_load %arg11[%parallel_loop3A_143] {strides = array<i32>} : memref<16384xf32, #tpu.memory_space<vmem>>, vector<16xf32>,
      tpu.vector_store %arg11[%parallel_loop3A_143], %parallel_loop3A_140 {strides = array<i32>} : memref<16384xf32, #tpu.memory_space<vmem>>, vector<16xf32>,
      %parallel_loop3A_145 = arith.constant 8192 : i32
      %parallel_loop3A_146 = vector.broadcast %parallel_loop3A_145 : i32 to vector<16xi32>
      %parallel_loop3A_147 = arith.addi %parallel_loop3A_128, %parallel_loop3A_146 : vector<16xi32>
      %parallel_loop3A_148 = tpu.vector_load_idx %arg7[%parallel_loop3A_147] : memref<16384xf32, #tpu.memory_space<vmem>>[vector<16xi32>], vector<16xf32>,
      %parallel_loop3A_149 = arith.constant 8192 : i32
      %parallel_loop3A_150 = arith.addi %parallel_loop3A_149, %parallel_loop3A_126 : i32
      %parallel_loop3A_151 = arith.index_cast %parallel_loop3A_150 : i32 to index
      %parallel_loop3A_152 = tpu.vector_load %arg11[%parallel_loop3A_151] {strides = array<i32>} : memref<16384xf32, #tpu.memory_space<vmem>>, vector<16xf32>,
      tpu.vector_store %arg11[%parallel_loop3A_151], %parallel_loop3A_148 {strides = array<i32>} : memref<16384xf32, #tpu.memory_space<vmem>>, vector<16xf32>,
      %parallel_loop3A_153 = arith.constant 12288 : i32
      %parallel_loop3A_154 = vector.broadcast %parallel_loop3A_153 : i32 to vector<16xi32>
      %parallel_loop3A_155 = arith.addi %parallel_loop3A_128, %parallel_loop3A_154 : vector<16xi32>
      %parallel_loop3A_156 = tpu.vector_load_idx %arg7[%parallel_loop3A_155] : memref<16384xf32, #tpu.memory_space<vmem>>[vector<16xi32>], vector<16xf32>,
      %parallel_loop3A_157 = arith.constant 12288 : i32
      %parallel_loop3A_158 = arith.addi %parallel_loop3A_157, %parallel_loop3A_126 : i32
      %parallel_loop3A_159 = arith.index_cast %parallel_loop3A_158 : i32 to index
      %parallel_loop3A_160 = tpu.vector_load %arg11[%parallel_loop3A_159] {strides = array<i32>} : memref<16384xf32, #tpu.memory_space<vmem>>, vector<16xf32>,
      tpu.vector_store %arg11[%parallel_loop3A_159], %parallel_loop3A_156 {strides = array<i32>} : memref<16384xf32, #tpu.memory_space<vmem>>, vector<16xf32>,
    } {sc.loop_unroll_factor = 4 : i64, sc.parallel_access}
    %add3A_64 = arith.constant 500 : i32
    %add3A_65 = arith.addi %mul3A_2, %add3A_64 : i32
    %mul3A_66 = arith.constant 4096 : i32
    %mul3A_67 = arith.muli %add3A_65, %mul3A_66 : i32
    %dma_start3A_68 = tpu.memref_slice %arg4[%mul3A_67] : memref<67108864xf32, #tpu.memory_space<hbm>> -> memref<16384xf32, #tpu.memory_space<hbm>>
    %dma_start3A_69 = tpu.memref_slice %arg4[%mul3A_67] : memref<67108864xf32, #tpu.memory_space<hbm>> -> memref<16384xf32, #tpu.memory_space<hbm>>
    tpu.enqueue_dma source(%arg11 : memref<16384xf32, #tpu.memory_space<vmem>>) target(%dma_start3A_69 : memref<16384xf32, #tpu.memory_space<hbm>>) target_semaphore(%arg17 : memref<!tpu.dma_semaphore, #tpu.memory_space<semaphore_mem>>)
    %add3A_70 = arith.constant 504 : i32
    %add3A_71 = arith.addi %mul3A_2, %add3A_70 : i32
    %mul3A_72 = arith.constant 4096 : i32
    %mul3A_73 = arith.muli %add3A_71, %mul3A_72 : i32
    %dma_wait3A_74 = tpu.memref_slice %arg2[%mul3A_73] : memref<67108864xf32, #tpu.memory_space<hbm>> -> memref<16384xf32, #tpu.memory_space<hbm>>
    %dma_wait3A_75 = tpu.memref_slice %arg2[%mul3A_73] : memref<67108864xf32, #tpu.memory_space<hbm>> -> memref<16384xf32, #tpu.memory_space<hbm>>
    tpu.wait_dma2 semaphore(%arg14 : memref<!tpu.dma_semaphore, #tpu.memory_space<semaphore_mem>>) src(%dma_wait3A_75 : memref<16384xf32, #tpu.memory_space<hbm>>) dst(%arg8 : memref<16384xf32, #tpu.memory_space<vmem>>)
    %add3A_76 = arith.constant 496 : i32
    %add3A_77 = arith.addi %mul3A_2, %add3A_76 : i32
    %mul3A_78 = arith.constant 4096 : i32
    %mul3A_79 = arith.muli %add3A_77, %mul3A_78 : i32
    %dma_wait3A_80 = tpu.memref_slice %arg4[%mul3A_79] : memref<67108864xf32, #tpu.memory_space<hbm>> -> memref<16384xf32, #tpu.memory_space<hbm>>
    %dma_wait3A_81 = tpu.memref_slice %arg4[%mul3A_79] : memref<67108864xf32, #tpu.memory_space<hbm>> -> memref<16384xf32, #tpu.memory_space<hbm>>
    tpu.wait_dma2 semaphore(%arg16 : memref<!tpu.dma_semaphore, #tpu.memory_space<semaphore_mem>>) src(%arg10 : memref<16384xf32, #tpu.memory_space<vmem>>) dst(%dma_wait3A_81 : memref<16384xf32, #tpu.memory_space<hbm>>)
    %parallel_loop3A_82 = arith.constant 0 : i32
    %parallel_loop3A_83 = arith.constant 256 : i32
    %parallel_loop3A_84 = arith.constant 1 : i32
    scf.for %parallel_loop3A_124 = %parallel_loop3A_82 to %parallel_loop3A_83 step %parallel_loop3A_84  : i32 {
      %parallel_loop3A_125 = arith.constant 16 : i32
      %parallel_loop3A_126 = arith.muli %parallel_loop3A_124, %parallel_loop3A_125 : i32
      %parallel_loop3A_127 = arith.index_cast %parallel_loop3A_126 : i32 to index
      %parallel_loop3A_128 = tpu.vector_load %arg5[%parallel_loop3A_127] {strides = array<i32>} : memref<4096xi32, #tpu.memory_space<vmem>>, vector<16xi32>,
      %parallel_loop3A_129 = arith.constant 0 : i32
      %parallel_loop3A_130 = vector.broadcast %parallel_loop3A_129 : i32 to vector<16xi32>
      %parallel_loop3A_131 = arith.addi %parallel_loop3A_128, %parallel_loop3A_130 : vector<16xi32>
      %parallel_loop3A_132 = tpu.vector_load_idx %arg8[%parallel_loop3A_131] : memref<16384xf32, #tpu.memory_space<vmem>>[vector<16xi32>], vector<16xf32>,
      %parallel_loop3A_133 = arith.constant 0 : i32
      %parallel_loop3A_134 = arith.addi %parallel_loop3A_133, %parallel_loop3A_126 : i32
      %parallel_loop3A_135 = arith.index_cast %parallel_loop3A_134 : i32 to index
      %parallel_loop3A_136 = tpu.vector_load %arg10[%parallel_loop3A_135] {strides = array<i32>} : memref<16384xf32, #tpu.memory_space<vmem>>, vector<16xf32>,
      tpu.vector_store %arg10[%parallel_loop3A_135], %parallel_loop3A_132 {strides = array<i32>} : memref<16384xf32, #tpu.memory_space<vmem>>, vector<16xf32>,
      %parallel_loop3A_137 = arith.constant 4096 : i32
      %parallel_loop3A_138 = vector.broadcast %parallel_loop3A_137 : i32 to vector<16xi32>
      %parallel_loop3A_139 = arith.addi %parallel_loop3A_128, %parallel_loop3A_138 : vector<16xi32>
      %parallel_loop3A_140 = tpu.vector_load_idx %arg8[%parallel_loop3A_139] : memref<16384xf32, #tpu.memory_space<vmem>>[vector<16xi32>], vector<16xf32>,
      %parallel_loop3A_141 = arith.constant 4096 : i32
      %parallel_loop3A_142 = arith.addi %parallel_loop3A_141, %parallel_loop3A_126 : i32
      %parallel_loop3A_143 = arith.index_cast %parallel_loop3A_142 : i32 to index
      %parallel_loop3A_144 = tpu.vector_load %arg10[%parallel_loop3A_143] {strides = array<i32>} : memref<16384xf32, #tpu.memory_space<vmem>>, vector<16xf32>,
      tpu.vector_store %arg10[%parallel_loop3A_143], %parallel_loop3A_140 {strides = array<i32>} : memref<16384xf32, #tpu.memory_space<vmem>>, vector<16xf32>,
      %parallel_loop3A_145 = arith.constant 8192 : i32
      %parallel_loop3A_146 = vector.broadcast %parallel_loop3A_145 : i32 to vector<16xi32>
      %parallel_loop3A_147 = arith.addi %parallel_loop3A_128, %parallel_loop3A_146 : vector<16xi32>
      %parallel_loop3A_148 = tpu.vector_load_idx %arg8[%parallel_loop3A_147] : memref<16384xf32, #tpu.memory_space<vmem>>[vector<16xi32>], vector<16xf32>,
      %parallel_loop3A_149 = arith.constant 8192 : i32
      %parallel_loop3A_150 = arith.addi %parallel_loop3A_149, %parallel_loop3A_126 : i32
      %parallel_loop3A_151 = arith.index_cast %parallel_loop3A_150 : i32 to index
      %parallel_loop3A_152 = tpu.vector_load %arg10[%parallel_loop3A_151] {strides = array<i32>} : memref<16384xf32, #tpu.memory_space<vmem>>, vector<16xf32>,
      tpu.vector_store %arg10[%parallel_loop3A_151], %parallel_loop3A_148 {strides = array<i32>} : memref<16384xf32, #tpu.memory_space<vmem>>, vector<16xf32>,
      %parallel_loop3A_153 = arith.constant 12288 : i32
      %parallel_loop3A_154 = vector.broadcast %parallel_loop3A_153 : i32 to vector<16xi32>
      %parallel_loop3A_155 = arith.addi %parallel_loop3A_128, %parallel_loop3A_154 : vector<16xi32>
      %parallel_loop3A_156 = tpu.vector_load_idx %arg8[%parallel_loop3A_155] : memref<16384xf32, #tpu.memory_space<vmem>>[vector<16xi32>], vector<16xf32>,
      %parallel_loop3A_157 = arith.constant 12288 : i32
      %parallel_loop3A_158 = arith.addi %parallel_loop3A_157, %parallel_loop3A_126 : i32
      %parallel_loop3A_159 = arith.index_cast %parallel_loop3A_158 : i32 to index
      %parallel_loop3A_160 = tpu.vector_load %arg10[%parallel_loop3A_159] {strides = array<i32>} : memref<16384xf32, #tpu.memory_space<vmem>>, vector<16xf32>,
      tpu.vector_store %arg10[%parallel_loop3A_159], %parallel_loop3A_156 {strides = array<i32>} : memref<16384xf32, #tpu.memory_space<vmem>>, vector<16xf32>,
    } {sc.loop_unroll_factor = 4 : i64, sc.parallel_access}
    %add3A_85 = arith.constant 504 : i32
    %add3A_86 = arith.addi %mul3A_2, %add3A_85 : i32
    %mul3A_87 = arith.constant 4096 : i32
    %mul3A_88 = arith.muli %add3A_86, %mul3A_87 : i32
    %dma_start3A_89 = tpu.memref_slice %arg4[%mul3A_88] : memref<67108864xf32, #tpu.memory_space<hbm>> -> memref<16384xf32, #tpu.memory_space<hbm>>
    %dma_start3A_90 = tpu.memref_slice %arg4[%mul3A_88] : memref<67108864xf32, #tpu.memory_space<hbm>> -> memref<16384xf32, #tpu.memory_space<hbm>>
    tpu.enqueue_dma source(%arg10 : memref<16384xf32, #tpu.memory_space<vmem>>) target(%dma_start3A_90 : memref<16384xf32, #tpu.memory_space<hbm>>) target_semaphore(%arg16 : memref<!tpu.dma_semaphore, #tpu.memory_space<semaphore_mem>>)
    %add3A_91 = arith.constant 508 : i32
    %add3A_92 = arith.addi %mul3A_2, %add3A_91 : i32
    %mul3A_93 = arith.constant 4096 : i32
    %mul3A_94 = arith.muli %add3A_92, %mul3A_93 : i32
    %dma_wait3A_95 = tpu.memref_slice %arg2[%mul3A_94] : memref<67108864xf32, #tpu.memory_space<hbm>> -> memref<16384xf32, #tpu.memory_space<hbm>>
    %dma_wait3A_96 = tpu.memref_slice %arg2[%mul3A_94] : memref<67108864xf32, #tpu.memory_space<hbm>> -> memref<16384xf32, #tpu.memory_space<hbm>>
    tpu.wait_dma2 semaphore(%arg15 : memref<!tpu.dma_semaphore, #tpu.memory_space<semaphore_mem>>) src(%dma_wait3A_96 : memref<16384xf32, #tpu.memory_space<hbm>>) dst(%arg9 : memref<16384xf32, #tpu.memory_space<vmem>>)
    %add3A_97 = arith.constant 500 : i32
    %add3A_98 = arith.addi %mul3A_2, %add3A_97 : i32
    %mul3A_99 = arith.constant 4096 : i32
    %mul3A_100 = arith.muli %add3A_98, %mul3A_99 : i32
    %dma_wait3A_101 = tpu.memref_slice %arg4[%mul3A_100] : memref<67108864xf32, #tpu.memory_space<hbm>> -> memref<16384xf32, #tpu.memory_space<hbm>>
    %dma_wait3A_102 = tpu.memref_slice %arg4[%mul3A_100] : memref<67108864xf32, #tpu.memory_space<hbm>> -> memref<16384xf32, #tpu.memory_space<hbm>>
    tpu.wait_dma2 semaphore(%arg17 : memref<!tpu.dma_semaphore, #tpu.memory_space<semaphore_mem>>) src(%arg11 : memref<16384xf32, #tpu.memory_space<vmem>>) dst(%dma_wait3A_102 : memref<16384xf32, #tpu.memory_space<hbm>>)
    %parallel_loop3A_103 = arith.constant 0 : i32
    %parallel_loop3A_104 = arith.constant 256 : i32
    %parallel_loop3A_105 = arith.constant 1 : i32
    scf.for %parallel_loop3A_124 = %parallel_loop3A_103 to %parallel_loop3A_104 step %parallel_loop3A_105  : i32 {
      %parallel_loop3A_125 = arith.constant 16 : i32
      %parallel_loop3A_126 = arith.muli %parallel_loop3A_124, %parallel_loop3A_125 : i32
      %parallel_loop3A_127 = arith.index_cast %parallel_loop3A_126 : i32 to index
      %parallel_loop3A_128 = tpu.vector_load %arg5[%parallel_loop3A_127] {strides = array<i32>} : memref<4096xi32, #tpu.memory_space<vmem>>, vector<16xi32>,
      %parallel_loop3A_129 = arith.constant 0 : i32
      %parallel_loop3A_130 = vector.broadcast %parallel_loop3A_129 : i32 to vector<16xi32>
      %parallel_loop3A_131 = arith.addi %parallel_loop3A_128, %parallel_loop3A_130 : vector<16xi32>
      %parallel_loop3A_132 = tpu.vector_load_idx %arg9[%parallel_loop3A_131] : memref<16384xf32, #tpu.memory_space<vmem>>[vector<16xi32>], vector<16xf32>,
      %parallel_loop3A_133 = arith.constant 0 : i32
      %parallel_loop3A_134 = arith.addi %parallel_loop3A_133, %parallel_loop3A_126 : i32
      %parallel_loop3A_135 = arith.index_cast %parallel_loop3A_134 : i32 to index
      %parallel_loop3A_136 = tpu.vector_load %arg11[%parallel_loop3A_135] {strides = array<i32>} : memref<16384xf32, #tpu.memory_space<vmem>>, vector<16xf32>,
      tpu.vector_store %arg11[%parallel_loop3A_135], %parallel_loop3A_132 {strides = array<i32>} : memref<16384xf32, #tpu.memory_space<vmem>>, vector<16xf32>,
      %parallel_loop3A_137 = arith.constant 4096 : i32
      %parallel_loop3A_138 = vector.broadcast %parallel_loop3A_137 : i32 to vector<16xi32>
      %parallel_loop3A_139 = arith.addi %parallel_loop3A_128, %parallel_loop3A_138 : vector<16xi32>
      %parallel_loop3A_140 = tpu.vector_load_idx %arg9[%parallel_loop3A_139] : memref<16384xf32, #tpu.memory_space<vmem>>[vector<16xi32>], vector<16xf32>,
      %parallel_loop3A_141 = arith.constant 4096 : i32
      %parallel_loop3A_142 = arith.addi %parallel_loop3A_141, %parallel_loop3A_126 : i32
      %parallel_loop3A_143 = arith.index_cast %parallel_loop3A_142 : i32 to index
      %parallel_loop3A_144 = tpu.vector_load %arg11[%parallel_loop3A_143] {strides = array<i32>} : memref<16384xf32, #tpu.memory_space<vmem>>, vector<16xf32>,
      tpu.vector_store %arg11[%parallel_loop3A_143], %parallel_loop3A_140 {strides = array<i32>} : memref<16384xf32, #tpu.memory_space<vmem>>, vector<16xf32>,
      %parallel_loop3A_145 = arith.constant 8192 : i32
      %parallel_loop3A_146 = vector.broadcast %parallel_loop3A_145 : i32 to vector<16xi32>
      %parallel_loop3A_147 = arith.addi %parallel_loop3A_128, %parallel_loop3A_146 : vector<16xi32>
      %parallel_loop3A_148 = tpu.vector_load_idx %arg9[%parallel_loop3A_147] : memref<16384xf32, #tpu.memory_space<vmem>>[vector<16xi32>], vector<16xf32>,
      %parallel_loop3A_149 = arith.constant 8192 : i32
      %parallel_loop3A_150 = arith.addi %parallel_loop3A_149, %parallel_loop3A_126 : i32
      %parallel_loop3A_151 = arith.index_cast %parallel_loop3A_150 : i32 to index
      %parallel_loop3A_152 = tpu.vector_load %arg11[%parallel_loop3A_151] {strides = array<i32>} : memref<16384xf32, #tpu.memory_space<vmem>>, vector<16xf32>,
      tpu.vector_store %arg11[%parallel_loop3A_151], %parallel_loop3A_148 {strides = array<i32>} : memref<16384xf32, #tpu.memory_space<vmem>>, vector<16xf32>,
      %parallel_loop3A_153 = arith.constant 12288 : i32
      %parallel_loop3A_154 = vector.broadcast %parallel_loop3A_153 : i32 to vector<16xi32>
      %parallel_loop3A_155 = arith.addi %parallel_loop3A_128, %parallel_loop3A_154 : vector<16xi32>
      %parallel_loop3A_156 = tpu.vector_load_idx %arg9[%parallel_loop3A_155] : memref<16384xf32, #tpu.memory_space<vmem>>[vector<16xi32>], vector<16xf32>,
      %parallel_loop3A_157 = arith.constant 12288 : i32
      %parallel_loop3A_158 = arith.addi %parallel_loop3A_157, %parallel_loop3A_126 : i32
      %parallel_loop3A_159 = arith.index_cast %parallel_loop3A_158 : i32 to index
      %parallel_loop3A_160 = tpu.vector_load %arg11[%parallel_loop3A_159] {strides = array<i32>} : memref<16384xf32, #tpu.memory_space<vmem>>, vector<16xf32>,
      tpu.vector_store %arg11[%parallel_loop3A_159], %parallel_loop3A_156 {strides = array<i32>} : memref<16384xf32, #tpu.memory_space<vmem>>, vector<16xf32>,
    } {sc.loop_unroll_factor = 4 : i64, sc.parallel_access}
    %add3A_106 = arith.constant 508 : i32
    %add3A_107 = arith.addi %mul3A_2, %add3A_106 : i32
    %mul3A_108 = arith.constant 4096 : i32
    %mul3A_109 = arith.muli %add3A_107, %mul3A_108 : i32
    %dma_start3A_110 = tpu.memref_slice %arg4[%mul3A_109] : memref<67108864xf32, #tpu.memory_space<hbm>> -> memref<16384xf32, #tpu.memory_space<hbm>>
    %dma_start3A_111 = tpu.memref_slice %arg4[%mul3A_109] : memref<67108864xf32, #tpu.memory_space<hbm>> -> memref<16384xf32, #tpu.memory_space<hbm>>
    tpu.enqueue_dma source(%arg11 : memref<16384xf32, #tpu.memory_space<vmem>>) target(%dma_start3A_111 : memref<16384xf32, #tpu.memory_space<hbm>>) target_semaphore(%arg17 : memref<!tpu.dma_semaphore, #tpu.memory_space<semaphore_mem>>)
    %add3A_112 = arith.constant 504 : i32
    %add3A_113 = arith.addi %mul3A_2, %add3A_112 : i32
    %mul3A_114 = arith.constant 4096 : i32
    %mul3A_115 = arith.muli %add3A_113, %mul3A_114 : i32
    %dma_wait3A_116 = tpu.memref_slice %arg4[%mul3A_115] : memref<67108864xf32, #tpu.memory_space<hbm>> -> memref<16384xf32, #tpu.memory_space<hbm>>
    %dma_wait3A_117 = tpu.memref_slice %arg4[%mul3A_115] : memref<67108864xf32, #tpu.memory_space<hbm>> -> memref<16384xf32, #tpu.memory_space<hbm>>
    tpu.wait_dma2 semaphore(%arg16 : memref<!tpu.dma_semaphore, #tpu.memory_space<semaphore_mem>>) src(%arg10 : memref<16384xf32, #tpu.memory_space<vmem>>) dst(%dma_wait3A_117 : memref<16384xf32, #tpu.memory_space<hbm>>)
    %add3A_118 = arith.constant 508 : i32
    %add3A_119 = arith.addi %mul3A_2, %add3A_118 : i32
    %mul3A_120 = arith.constant 4096 : i32
    %mul3A_121 = arith.muli %add3A_119, %mul3A_120 : i32
    %dma_wait3A_122 = tpu.memref_slice %arg4[%mul3A_121] : memref<67108864xf32, #tpu.memory_space<hbm>> -> memref<16384xf32, #tpu.memory_space<hbm>>
    %dma_wait3A_123 = tpu.memref_slice %arg4[%mul3A_121] : memref<67108864xf32, #tpu.memory_space<hbm>> -> memref<16384xf32, #tpu.memory_space<hbm>>
    tpu.wait_dma2 semaphore(%arg17 : memref<!tpu.dma_semaphore, #tpu.memory_space<semaphore_mem>>) src(%arg11 : memref<16384xf32, #tpu.memory_space<vmem>>) dst(%dma_wait3A_123 : memref<16384xf32, #tpu.memory_space<hbm>>)
    return
  }
}

</mosaic_0001>

<sc_bundles>
// kernel: kernel.3.cloned.1.call-start
scs
__scs_entry_jumppad:
0x0: {  	(pc) =	sbr.rel $0x88, $3  }
0x1: {  	(tag) =	ssettag $0x0;
	lr =	simm.s32 $0x1  }
0x2: {  	[smem:$0x3F9F] =	sst lr;
	_ =	strace $0xD0000000  }
0x3: {  	_ = 	snop  }
0x4: {  	_ = 	snop  }
0x5: {  	_ = 	snop  }
0x6: {  	_ = 	snop  }
0x7: {  	_ = 	snop  }
__scs_overlays_trampoline_lowered:
0x8: {  	[smem:$0x3FAE] =	sst s0  }
0x9: {  	[smem:$0x3FAF] =	sst s1  }
0xa: {  	[smem:$0x3FB0] =	sst s2  }
0xb: {  	[smem:$0x3FB1] =	sst s3  }
0xc: {  	[smem:$0x3FB2] =	sst s4  }
0xd: {  	[smem:$0x3FB3] =	sst s5  }
0xe: {  	[smem:$0x3FB4] =	sst s6  }
0xf: {  	[smem:$0x3FB5] =	sst s7  }
0x10: {  	[smem:$0x3FB6] =	sst s8  }
0x11: {  	[smem:$0x3FB7] =	sst s9;
	s0 =	simm.s32 @!p0 $0x0  }
0x12: {  	s1 =	sld [smem:$0x3F9D];
	s0 =	simm.s32 @p0 $0x1  }
0x13: {  	[smem:$0x3FB8] =	sst s0;
	s0 =	simm.s32 @!p1 $0x0  }
0x14: {  	s2 =	sld [smem:$0x3F9C];
	s0 =	simm.s32 @p1 $0x1  }
0x15: {  	[smem:$0x3FB9] =	sst s0;
	s0 =	simm.s32 @!p2 $0x0  }
0x16: {  	s3 =	sld [smem:$0x3FDB];
	s0 =	simm.s32 @p2 $0x1  }
0x17: {  	s4 =	simm.s32 $0x1BF5;
	[smem:$0x3FBB] =	sst s0  }
0x18: {  	s0 =	sld [smem:$0x3F9E];
	_ =	swait.ge [sflag:s4], $0x0  }
0x19: {  	s7 =	sld [smem:$0x3F9F]  }
0x1a: {  	s8 =	sadd.s32 $0xFFFFE003, lr  }
0x1b: {  	s9 =	sadd.s32 $0xFFFFFEF7, lr;
	s5 =	simm.s32 $0xFFFFFFFF;
	p2 =	slt.u32 s8, $0xFFFFF086  }
0x1c: {  	p1 =	slt.u32 s9, $0xF7A;
	s5 =	simm.s32 @!p2 $0x0  }
0x1d: {  	s5 =	simm.s32 @p1 $0x1;
	p0 =	seq.s32 s7, s2  }
0x1e: {  	s7 =	smul.u32 @!p0 $0xF7A, s2;
	p2 =	seq.s32 @!p0 s5, $0x0  }
0x1f: {  	s9 =	smul.u32 $0xF7A, s1;
	s8 =	simm.s32 @!p0 $0x1BF5;
	p2 =	por !p2, p0  }
0x20: {  	[sflag:s8] =	ssyncset.s32 @!p0 $0xFFFFF086;
	s6 =	sadd.s32 @!p0 s3, s7;
	s7 =	simm.s32 @!p0 $0x108  }
0x21: {  	s3 =	sadd.s32 s3, s9;
	s6 =	sadd.s32 @!p0 $0x88, s6;
	s7 =	simm.s32 @p2 $0x1082  }
0x22: {  	[simem:s7], [sflag:s8] =	dma.local @!p0 [hbm:s6], $0xF7A  }
0x23: {  	s9 =	sor.u32 $0xD0000000, s2;
	s6 =	simm.s32 $0x108;
	_ =	swait.ge @!p0 [sflag:s8], $0x0  }
0x24: {  	s3 =	sadd.s32 $0x88, s3;
	s6 =	simm.s32 @!p1 $0x1082;
	[sflag:s4] =	ssyncset.s32 $0xFFFFF086  }
0x25: {  	[simem:s6], [sflag:s4] =	dma.local [hbm:s3], $0xF7A  }
0x26: {  	[smem:$0x3F9F] =	sst s1;
	(tag) =	ssettag s2;
	_ =	strace s9  }
0x27: {  	s1 =	sld [smem:$0x3FAF]  }
0x28: {  	s2 =	sld [smem:$0x3FB0]  }
0x29: {  	s4 =	sld [smem:$0x3FB2]  }
0x2a: {  	p0 =	seq.s32 s5, $0x0;
	s5 =	sld [smem:$0x3FB3]  }
0x2b: {  	s6 =	sld [smem:$0x3FB4]  }
0x2c: {  	s7 =	sld [smem:$0x3FB5]  }
0x2d: {  	s3 =	simm.s32 $0x108;
	s8 =	sld [smem:$0x3FB6]  }
0x2e: {  	s3 =	simm.s32 @!p0 $0x1082;
	s9 =	sld [smem:$0x3FB7]  }
0x2f: {  	lr =	sadd.s32 s0, s3;
	s0 =	sld [smem:$0x3FAE]  }
0x30: {  	s3 =	sld [smem:$0x3FB1]  }
0x31: {  	[smem:$0x3FBA] =	sst s10  }
0x32: {  	s10 =	sld [smem:$0x3FB8];
	_ =	sdelay $0x3  }
0x33: {  	p0 =	seq.s32 s10, $0x1;
	s10 =	sld [smem:$0x3FBA];
	_ =	sdelay $0x3  }
0x34: {  	[smem:$0x3FBA] =	sst s10  }
0x35: {  	s10 =	sld [smem:$0x3FB9];
	_ =	sdelay $0x3  }
0x36: {  	p1 =	seq.s32 s10, $0x1;
	s10 =	sld [smem:$0x3FBA];
	_ =	sdelay $0x3  }
0x37: {  	[smem:$0x3FBA] =	sst s10  }
0x38: {  	s10 =	sld [smem:$0x3FBB]  }
0x39: {  	_ = 	snop;
	(pc) =	sbr.ind lr, $3  }
0x3a: {  	_ = 	snop  }
0x3b: {  	_ = 	snop  }
0x3c: {  	p2 =	seq.s32 s10, $0x1;
	s10 =	sld [smem:$0x3FBA]  }
0x3d: {  	_ =	shalt  }
0x3e: {  	_ =	shalt  }
0x3f: {  	_ =	shalt  }
0x40: {  	_ =	shalt  }
0x41: {  	_ =	shalt  }
0x42: {  	_ =	shalt  }
0x43: {  	_ =	shalt  }
0x44: {  	_ =	shalt  }
0x45: {  	_ =	shalt  }
0x46: {  	_ =	shalt  }
0x47: {  	_ =	shalt  }
0x48: {  	_ =	shalt  }
0x49: {  	_ =	shalt  }
0x4a: {  	_ =	shalt  }
0x4b: {  	_ =	shalt  }
0x4c: {  	_ =	shalt  }
0x4d: {  	_ =	shalt  }
0x4e: {  	_ =	shalt  }
0x4f: {  	_ =	shalt  }
0x50: {  	_ =	shalt  }
0x51: {  	_ =	shalt  }
0x52: {  	_ =	shalt  }
0x53: {  	_ =	shalt  }
0x54: {  	_ =	shalt  }
0x55: {  	_ =	shalt  }
0x56: {  	_ =	shalt  }
0x57: {  	_ =	shalt  }
0x58: {  	_ =	shalt  }
0x59: {  	_ =	shalt  }
0x5a: {  	_ =	shalt  }
0x5b: {  	_ =	shalt  }
0x5c: {  	_ =	shalt  }
0x5d: {  	_ =	shalt  }
0x5e: {  	_ =	shalt  }
0x5f: {  	_ =	shalt  }
0x60: {  	_ =	shalt  }
0x61: {  	_ =	shalt  }
0x62: {  	_ =	shalt  }
0x63: {  	_ =	shalt  }
0x64: {  	_ =	shalt  }
0x65: {  	_ =	shalt  }
0x66: {  	_ =	shalt  }
0x67: {  	_ =	shalt  }
0x68: {  	_ =	shalt  }
0x69: {  	_ =	shalt  }
0x6a: {  	_ =	shalt  }
0x6b: {  	_ =	shalt  }
0x6c: {  	_ =	shalt  }
0x6d: {  	_ =	shalt  }
0x6e: {  	_ =	shalt  }
0x6f: {  	_ =	shalt  }
0x70: {  	_ =	shalt  }
0x71: {  	_ =	shalt  }
0x72: {  	_ =	shalt  }
0x73: {  	_ =	shalt  }
0x74: {  	_ =	shalt  }
0x75: {  	_ =	shalt  }
0x76: {  	_ =	shalt  }
0x77: {  	_ =	shalt  }
0x78: {  	_ =	shalt  }
0x79: {  	_ =	shalt  }
0x7a: {  	_ =	shalt  }
0x7b: {  	_ =	shalt  }
0x7c: {  	_ =	shalt  }
0x7d: {  	_ =	shalt  }
0x7e: {  	_ =	shalt  }
0x7f: {  	_ =	shalt  }
0x80: {  	_ =	shalt  }
0x81: {  	_ =	shalt  }
0x82: {  	_ =	shalt  }
0x83: {  	_ =	shalt  }
0x84: {  	_ =	shalt  }
0x85: {  	_ =	shalt  }
0x86: {  	_ =	shalt  }
0x87: {  	_ =	shalt  }
.Lfunc_end0:
.L_simem_size_0:
called_computation.1_lowered:
.L_overlay_start_0:
0x88: {  	s2 =	sld [smem:$0x3FD9]  }
0x89: {  	s3 =	sld [smem:$0x3FFE];
	_ =	sdelay $0x1  }
0x8a: {  	s1 =	srdreg.scid  }
0x8b: {  	s0 =	sand.u32 $0x1, s1  }
0x8c: {  	s17 =	sshll.u32 s0, $0xA;
	s2 =	sadd.s32 s3, s2  }
0x8d: {  	s2 =	sadd.s32 s2, s17  }
0x8e: {  	[smem:$0x3FC6] =	sst s2  }
0x8f: {  	_ = 	snop  }
0x90: {  	s2 =	sld [smem:$0x3FC8]  }
0x91: {  	s18 =	sld [smem:$0x3FD0];
	(tm) =	ssettm $0x1  }
0x92: {  	s4 =	sld [smem:$0x3FFB];
	_ =	sdelay $0x3  }
0x93: {  	_ =	strace s4  }
0x94: {  	s4 =	sld [smem:$0x3FFC];
	_ =	sdelay $0x3  }
0x95: {  	_ =	strace s4  }
0x96: {  	s4 =	sld [smem:$0x3FFD];
	_ =	sdelay $0x3  }
0x97: {  	_ =	strace s4  }
0x98: {  	_ =	strace $0x8FFFFFFF  }
0x99: {  	s19 =	sld [smem:$0x3FDB];
	_ =	sdelay $0x1  }
0x9a: {  	s5 =	simm.s32 $_scs_section_size  }
0x9b: {  	s6 =	simm.s32 $_size__tile_overlayer_lowered;
	s7 =	simm.s32 $_tile_overlayer_lowered  }
0x9c: {  	s22 =	simm.s32 $0x1BFF;
	s21 =	sshll.u32 s7, $0x1;
	s4 =	sadd.s32 s5, s19  }
0x9d: {  	s8 =	simm.s32 $0x0;
	s20 =	sshll.u32 s6, $0x1;
	s6 =	sadd.s32 s21, s4  }
0x9e: {  	[timem:s8], [sflag:s22] =	dma.local [hbm:s6], s20  }
0x9f: {  	_ =	swait.ge [sflag:s22], s20  }
0xa0: {  	s5 =	ssub.s32 $0x0, s20;
	[sflag:s22] =	ssyncset.done $0x0  }
0xa1: {  	[sflag:s22] =	ssyncadd.s32 s5;
	_ =	sdelay $0x1  }
0xa2: {  	s23 =	simm.s32 $0x1B8B  }
0xa3: {  	_ =	swait.ge [sflag:s23], $0x1  }
0xa4: {  	[sflag:s23] =	ssyncset.done $0x0  }
0xa5: {  	s25 =	simm.s32 $0x1B8E;
	s24 =	sld [smem:$0x3FFE];
	[sflag:s23] =	ssyncadd.s32 $0xFFFFFFFF  }
0xa6: {  	s26 =	simm.s32 $execute0_lowered;
	[smem:$0x3FD2] =	sst s25  }
0xa7: {  	s6 =	sshll.u32 s26, $0x1;
	_ =	strace $0x80000049;
	[dreg:$0x1] =	wrdreg $0xFFFFFFFF  }
0xa8: {  	s28 =	simm.s32 $_size_execute0_lowered;
	s4 =	sadd.s32 s4, s6;
	[dreg:$0x0] =	wrdreg $0x0  }
0xa9: {  	s6 =	sshll.u32 s28, $0x1;
	[dreg:$0x2] =	wrdreg s4  }
0xaa: {  	[dreg:$0x3] =	wrdreg s6  }
0xab: {  	[dreg:$0x4] =	wrdreg $0xC0  }
0xac: {  	_ =	task [dreg:s8], $0x5FFFF  }
0xad: {  	[dreg:$0x1] =	wrdreg $0xFFFFFFFF  }
0xae: {  	[dreg:$0x0] =	wrdreg $0x60  }
0xaf: {  	[dreg:$0x2] =	wrdreg s18  }
0xb0: {  	[dreg:$0x3] =	wrdreg s2  }
0xb1: {  	[dreg:$0x4] =	wrdreg s24  }
0xb2: {  	[dreg:$0x5] =	wrdreg $0x9  }
0xb3: {  	_ =	task.clear_ibuf [dreg:s8], $0x6FFFF;
	_ =	strace $0x90000049  }
0xb4: {  	s29 =	simm.s32 $0x9;
	_ =	strace $0x8000004B  }
0xb5: {  	_ =	swait.ge [sflag:s29], $0x1  }
0xb6: {  	[sflag:s29] =	ssyncadd.s32 $0xFFFFFFFF  }
0xb7: {  	_ =	strace $0x9000004B  }
0xb8: {  	_ =	sfence  }
0xb9: {  	s30 =	sld [smem:$0x0];
	_ =	sdelay $0x2  }
0xba: {  	s31 =	sshll.u32 s1, $0xD;
	s1 =	sshrl.u32 s1, $0x2  }
0xbb: {  	s3 =	sand.u32 $0x4000, s31;
	s1 =	sadd.s32 s1, s30  }
0xbc: {  	s0 =	sor.u32 s3, s0;
	s1 =	sshll.u32 s1, $0x11  }
0xbd: {  	s0 =	sor.u32 s1, s0  }
0xbe: {  	s0 =	sadd.s32 $0x8F2B, s0  }
0xbf: {  	[sflag:s0] =	ssyncadd.remote.s32 $0x1  }
0xc0: {  	_ =	sfence.sel $0xFFFF  }
0xc1: {  	[dreg:$0x0] =	wrdreg $0xFFFFFFFF;
	(pc) =	sbr.abs _section_cstart, $3  }
0xc2: {  	[dreg:$0x1] =	wrdreg $0xFFFFFFFF  }
0xc3: {  	_ =	task.clear_ibuf [dreg:s8], $0x2FFFF;
	_ =	strace $0x9FFFFFFF  }
0xc4: {  	(tm) =	ssettm $0x7FFFFFFF  }
0xc5: {  	_ =	shalt  }
tec
execute0_lowered:
.L_overlay_start_1:
0x0: {  	(tag) =	ssettag $0x1  }
0x1: {  	s1 =	rddreg [dreg:$0x0]  }
0x2: {  	s0 =	rddreg [dreg:$0x2]  }
0x3: {  	s2 =	srdreg.scid;
	s3 =	stileid.u32  }
0x4: {  	s4 =	simm.s32 $0x0;
	s28 =	simm.s32 $0x11000;
	s29 =	simm.s32 $0x2  }
0x5: {  	s30 =	simm.s32 $0x15000;
	s31 =	simm.s32 $0x3;
	s2 =	sand.u32 $0x1, s2  }
0x6: {  	s3 =	sshll.u32 s3, $0x1;
	[smem:$0x7FF] =	sst s4;
	s6 =	sadd.s32 $0x800, s0  }
0x7: {  	s11 =	sadd.s32 $0x1000, s0;
	s7 =	ssub.s32 $0x2, s2;
	s2 =	sor.u32 s2, s3  }
0x8: {  	s13 =	sadd.s32 $0x1800, s0;
	_ =	strace $0x8000004A;
	s5 =	sshll.u32 s2, $0x12  }
0x9: {  	s18 =	sshrl.u32 s7, $0x1;
	s2 =	sshll.u32 s2, $0x9;
	s19 =	sadd.s32 s1, s5  }
0xa: {  	s3 =	ssub.s32 s7, s18;
	s8 =	sadd.s32 $0x800, s19;
	[dreg:$0x4] =	wrdreg s19  }
0xb: {  	s20 =	sor.u32 $0x3F800, s5;
	s7 =	sadd.s32 $0x1000, s19;
	[dreg:$0x5] =	wrdreg s8  }
0xc: {  	s21 =	sadd.s32 s5, s6;
	s22 =	sadd.s32 s1, s20;
	[dreg:$0x6] =	wrdreg s7  }
0xd: {  	s10 =	sor.u32 $0x10, s2;
	s23 =	sadd.s32 $0x3E000, s21;
	[dreg:$0x7] =	wrdreg s22  }
0xe: {  	s12 =	sor.u32 $0x14, s2;
	s24 =	sadd.s32 $0x3E800, s21;
	[dreg:$0x8] =	wrdreg s23  }
0xf: {  	s14 =	sor.u32 $0x18, s2;
	s25 =	sadd.s32 $0x3F000, s21;
	[dreg:$0x9] =	wrdreg s24  }
0x10: {  	s2 =	simm.s32 $0x4;
	s0 =	sadd.s32 s6, s20;
	[dreg:$0xa] =	wrdreg s25  }
0x11: {  	s26 =	smax.u32 s3, $0x1;
	s21 =	simm.s32 $0x7;
	[dreg:$0xb] =	wrdreg s0  }
0x12: {  	s3 =	simm.s32 $0x6;
	[dreg:$0xc] =	wrdreg s26;
	s22 =	simm.s32 $0x1000  }
0x13: {  	s23 =	simm.s32 $0x5000;
	s24 =	simm.s32 $0x9000;
	s25 =	simm.s32 $0x1  }
0x14: {  	s26 =	simm.s32 $0xD000;
	s0 =	simm.s32 $0x5;
	s8 =	simm.s32 $0x0  }
.LBB2_1:
0x15: {  	s7 =	rddreg [dreg:$0x1]  }
0x16: {  	[tilespmem:s4], [sflag:$0x7] =	stream.linear.gather [hbm4b:s7+s4], $0x1000, $0x38;
	[tilespmem:$0x19000] =	vst v63  }
0x17: {  	_ =	swait.ge [sflag:s21], $0x1000  }
0x18: {  	[sflag:s21] =	ssyncset.done $0x0  }
0x19: {  	s18 =	rddreg [dreg:$0x4];
	[sflag:s21] =	ssyncadd.s32 $0xFFFFF000  }
0x1a: {  	[tilespmem:s22], [sflag:$0x1] =	stream.linear.gather [hbm4b:s18+s4], $0x4000, $0x38;
	[tilespmem:$0x19000] =	vst v63  }
0x1b: {  	s19 =	rddreg [dreg:$0x5]  }
0x1c: {  	[tilespmem:s23], [sflag:$0x2] =	stream.linear.gather [hbm4b:s19+s4], $0x4000, $0x38;
	[tilespmem:$0x19000] =	vst v63  }
0x1d: {  	s9 =	simm.s32 $0x0;
	s20 =	rddreg [dreg:$0x6]  }
0x1e: {  	[tilespmem:s24], [sflag:$0x3] =	stream.linear.gather [hbm4b:s20+s4], $0x4000, $0x38;
	[tilespmem:$0x19000] =	vst v63  }
.LBB2_2:
0x1f: {  	s7 =	sshll.u32 s9, $0xD  }
0x20: {  	_ =	swait.ge [sflag:s25], $0x4000;
	s16 =	sadd.s32 s5, s7  }
0x21: {  	p0 =	seq.s32 s9, $0x0;
	[sflag:s25] =	ssyncset.done $0x0;
	s15 =	sor.u32 $0x1800, s16  }
0x22: {  	s7 =	simm.s32 @!p0 $0x5;
	[sflag:s25] =	ssyncadd.s32 $0xFFFFC000;
	s18 =	sadd.s32 s1, s15  }
0x23: {  	[tilespmem:s26], [sflag:$0x4] =	stream.linear.gather [hbm4b:s18+s4], $0x4000, $0x38;
	[tilespmem:$0x19000] =	vst v63  }
0x24: {  	_ =	swait.ge @!p0 [sflag:s7], $0x4000  }
0x25: {  	[sflag:s7] =	ssyncset.done @!p0 $0x0  }
0x26: {  	s19 =	simm.s32 $0x20;
	[sflag:s7] =	ssyncadd.s32 @!p0 $0xFFFFC000  }
0x27: {  	v1 =	vld [tilespmem:s19+$0x10]  }
0x28: {  	v2 =	vld [tilespmem:s19+$0xFFFFFFF0]  }
0x29: {  	v3 =	vld [tilespmem:s19+$0x0]  }
0x2a: {  	v4 =	vld [tilespmem:s19+$0xFFFFFFE0];
	_ =	sdelay $0x4  }
0x2b: {  	v0 =	vld.idx.msk [tilespmem:v1+s22+$0x0], $0xffff  }
0x2c: {  	v6 =	vadd.s32 $0x1000, v1;
	v5 =	vld.idx.msk [tilespmem:v2+s22+$0x0], $0xffff  }
0x2d: {  	v7 =	vadd.s32 $0x1000, v2;
	v8 =	vld.idx.msk [tilespmem:v3+s22+$0x0], $0xffff  }
0x2e: {  	s20 =	simm.s32 $0x60;
	v9 =	vadd.s32 $0x1000, v3;
	v10 =	vld.idx.msk [tilespmem:v4+s22+$0x0], $0xffff  }
0x2f: {  	s17 =	simm.s32 $0x13000;
	v13 =	vld [tilespmem:s20+$0x0];
	v11 =	vadd.s32 $0x1000, v4  }
0x30: {  	v12 =	vld [tilespmem:s20+$0xFFFFFFF0];
	[tilespmem:s17+$0xFFFFE030] =	vst v0  }
0x31: {  	[tilespmem:s17+$0xFFFFE010] =	vst v5;
	v6 =	vld.idx.msk [tilespmem:v6+s22+$0x0], $0xffff  }
0x32: {  	[tilespmem:s17+$0xFFFFE020] =	vst v8;
	v5 =	vld.idx.msk [tilespmem:v7+s22+$0x0], $0xffff  }
0x33: {  	[tilespmem:s17+$0xFFFFE000] =	vst v10;
	v8 =	vld.idx.msk [tilespmem:v9+s22+$0x0], $0xffff  }
0x34: {  	v7 =	vadd.s32 $0x2000, v1;
	v9 =	vld.idx.msk [tilespmem:v11+s22+$0x0], $0xffff  }
0x35: {  	v11 =	vadd.s32 $0x2000, v4  }
0x36: {  	v0 =	vld [tilespmem:s20+$0x10]  }
0x37: {  	v15 =	vld.idx.msk [tilespmem:v13+s22+$0x0], $0xffff;
	[tilespmem:s17+$0xFFFFF030] =	vst v6  }
0x38: {  	v10 =	vadd.s32 $0x2000, v2;
	[tilespmem:s17+$0xFFFFF010] =	vst v5;
	v5 =	vld [tilespmem:s20+$0xFFFFFFE0]  }
0x39: {  	[tilespmem:s17+$0xFFFFF000] =	vst v9;
	v7 =	vld.idx.msk [tilespmem:v7+s22+$0x0], $0xffff  }
0x3a: {  	v6 =	vadd.s32 $0x2000, v3;
	[tilespmem:s17+$0xFFFFF020] =	vst v8;
	v8 =	vld.idx.msk [tilespmem:v11+s22+$0x0], $0xffff  }
0x3b: {  	v18 =	vadd.s32 $0x1000, v13;
	v11 =	vld.idx.msk [tilespmem:v12+s22+$0x0], $0xffff  }
0x3c: {  	v1 =	vadd.s32 $0x3000, v1  }
0x3d: {  	s18 =	simm.s32 $0x13040;
	v9 =	vld.idx.msk [tilespmem:v10+s22+$0x0], $0xffff  }
0x3e: {  	[tilespmem:s18+$0xFFFFE020] =	vst v15;
	v4 =	vadd.s32 $0x3000, v4;
	v10 =	vld.idx.msk [tilespmem:v0+s22+$0x0], $0xffff  }
0x3f: {  	v2 =	vadd.s32 $0x3000, v2;
	v6 =	vld.idx.msk [tilespmem:v6+s22+$0x0], $0xffff;
	[tilespmem:s17+$0x30] =	vst v7  }
0x40: {  	v14 =	vadd.s32 $0x1000, v0;
	[tilespmem:s18+$0xFFFFE010] =	vst v11;
	v11 =	vld.idx.msk [tilespmem:v18+s22+$0x0], $0xffff  }
0x41: {  	v3 =	vadd.s32 $0x3000, v3;
	v1 =	vld.idx.msk [tilespmem:v1+s22+$0x0], $0xffff  }
0x42: {  	v16 =	vadd.s32 $0x1000, v12;
	[tilespmem:s17+$0x0] =	vst v8;
	v17 =	vld.idx.msk [tilespmem:v5+s22+$0x0], $0xffff  }
0x43: {  	v20 =	vadd.s32 $0x1000, v5;
	[tilespmem:s17+$0x10] =	vst v9;
	v19 =	vld.idx.msk [tilespmem:v4+s22+$0x0], $0xffff  }
0x44: {  	[tilespmem:s18+$0xFFFFE030] =	vst v10;
	v7 =	vld.idx.msk [tilespmem:v2+s22+$0x0], $0xffff  }
0x45: {  	v9 =	vld.idx.msk [tilespmem:v14+s22+$0x0], $0xffff;
	[tilespmem:s17+$0x20] =	vst v6  }
0x46: {  	v4 =	vadd.s32 $0x2000, v13;
	v2 =	vadd.s32 $0x3000, v13;
	v13 =	vadd.s32 $0x2000, v0;
	v8 =	vld.idx.msk [tilespmem:v3+s22+$0x0], $0xffff;
	[tilespmem:s17+$0x1030] =	vst v1  }
0x47: {  	v10 =	vld.idx.msk [tilespmem:v16+s22+$0x0], $0xffff;
	v6 =	vadd.s32 $0x2000, v5;
	[tilespmem:s18+$0xFFFFE000] =	vst v17  }
0x48: {  	s19 =	simm.s32 $0x4;
	s20 =	simm.s32 $0xA0;
	v5 =	vadd.s32 $0x3000, v5;
	v3 =	vadd.s32 $0x2000, v12;
	v1 =	vadd.s32 $0x3000, v12;
	[tilespmem:s17+$0x1000] =	vst v19;
	v12 =	vld.idx.msk [tilespmem:v20+s22+$0x0], $0xffff  }
.LBB2_3:
0x49: {  	v14 =	vld [tilespmem:s20+$0x10];
	s19 =	sadd.s32 $0x4, s19;
	[tilespmem:s17+$0x1010] =	vst v7  }
0x4a: {  	v7 =	vld [tilespmem:s20+$0xFFFFFFF0];
	p1 =	slt.u32 s19, $0xFC;
	[tilespmem:s18+$0xFFFFF030] =	vst v9  }
0x4b: {  	v9 =	vld.idx.msk [tilespmem:v13+s22+$0x0], $0xffff;
	[tilespmem:s17+$0x1020] =	vst v8;
	s17 =	smov.u32 s18  }
0x4c: {  	v8 =	vld [tilespmem:s20+$0x0];
	[tilespmem:s18+$0xFFFFF010] =	vst v10  }
0x4d: {  	v10 =	vld [tilespmem:s20+$0xFFFFFFE0];
	[tilespmem:s18+$0xFFFFF020] =	vst v11;
	v11 =	vadd.s32 $0x3000, v0  }
0x4e: {  	[tilespmem:s18+$0xFFFFF000] =	vst v12;
	v12 =	vld.idx.msk [tilespmem:v3+s22+$0x0], $0xffff;
	v0 =	vmov v14  }
0x4f: {  	v13 =	vadd.s32 $0x1000, v7;
	v3 =	vadd.s32 $0x2000, v7;
	v15 =	vadd.s32 $0x3000, v7;
	v16 =	vld.idx.msk [tilespmem:v6+s22+$0x0], $0xffff  }
0x50: {  	v17 =	vld.idx.msk [tilespmem:v4+s22+$0x0], $0xffff  }
0x51: {  	v18 =	vadd.s32 $0x1000, v8;
	v4 =	vadd.s32 $0x2000, v8;
	v19 =	vadd.s32 $0x3000, v8;
	v14 =	vld.idx.msk [tilespmem:v14+s22+$0x0], $0xffff;
	[tilespmem:s18+$0x30] =	vst v9  }
0x52: {  	v20 =	vadd.s32 $0x1000, v10;
	v6 =	vadd.s32 $0x2000, v10;
	v9 =	vadd.s32 $0x3000, v10;
	v11 =	vld.idx.msk [tilespmem:v11+s22+$0x0], $0xffff  }
0x53: {  	v22 =	vadd.s32 $0x1000, v0;
	v21 =	vld.idx.msk [tilespmem:v7+s22+$0x0], $0xffff  }
0x54: {  	v23 =	vld.idx.msk [tilespmem:v8+s22+$0x0], $0xffff;
	[tilespmem:s18+$0x10] =	vst v12  }
0x55: {  	v12 =	vld.idx.msk [tilespmem:v10+s22+$0x0], $0xffff;
	[tilespmem:s18+$0x0] =	vst v16  }
0x56: {  	s18 =	sadd.s32 $0x40, s18;
	v16 =	vld.idx.msk [tilespmem:v5+s22+$0x0], $0xffff;
	[tilespmem:s17+$0x20] =	vst v17;
	v5 =	vmov v9  }
0x57: {  	[tilespmem:s18+$0xFFFFE030] =	vst v14;
	v7 =	vld.idx.msk [tilespmem:v1+s22+$0x0], $0xffff;
	v1 =	vmov v15  }
.Ltmp0:
0x58: {  	v9 =	vld.idx.msk [tilespmem:v22+s22+$0x0], $0xffff;
	[tilespmem:s17+$0x1030] =	vst v11;
	(pc) =	sbr.rel @p1 .LBB2_3-.Ltmp0, $4  }
0x59: {  	[tilespmem:s18+$0xFFFFE010] =	vst v21;
	v8 =	vld.idx.msk [tilespmem:v2+s22+$0x0], $0xffff;
	v2 =	vmov v19  }
0x5a: {  	v10 =	vld.idx.msk [tilespmem:v13+s22+$0x0], $0xffff;
	[tilespmem:s18+$0xFFFFE020] =	vst v23;
	v13 =	vadd.s32 $0x2000, v0  }
0x5b: {  	[tilespmem:s18+$0xFFFFE000] =	vst v12;
	v11 =	vld.idx.msk [tilespmem:v18+s22+$0x0], $0xffff  }
0x5c: {  	s20 =	sadd.s32 $0x40, s20;
	v12 =	vld.idx.msk [tilespmem:v20+s22+$0x0], $0xffff;
	[tilespmem:s17+$0x1000] =	vst v16  }
0x5d: {  	_ =	sdelay $0x2  }
0x5e: {  	[tilespmem:s18+$0xFFFFF030] =	vst v9  }
0x5f: {  	v9 =	vld.idx.msk [tilespmem:v13+s22+$0x0], $0xffff;
	[tilespmem:s18+$0xFFFFF010] =	vst v10  }
0x60: {  	v0 =	vadd.s32 $0x3000, v0;
	[tilespmem:s18+$0xFFFFF020] =	vst v11;
	v3 =	vld.idx.msk [tilespmem:v3+s22+$0x0], $0xffff  }
0x61: {  	[tilespmem:s18+$0xFFFFF000] =	vst v12;
	v4 =	vld.idx.msk [tilespmem:v4+s22+$0x0], $0xffff  }
0x62: {  	v6 =	vld.idx.msk [tilespmem:v6+s22+$0x0], $0xffff;
	_ =	sdelay $0x1  }
0x63: {  	[tilespmem:s18+$0x30] =	vst v9  }
0x64: {  	v0 =	vld.idx.msk [tilespmem:v0+s22+$0x0], $0xffff;
	[tilespmem:s18+$0x10] =	vst v3  }
0x65: {  	[tilespmem:s18+$0x20] =	vst v4;
	v1 =	vld.idx.msk [tilespmem:v1+s22+$0x0], $0xffff  }
0x66: {  	[tilespmem:s18+$0x0] =	vst v6;
	v2 =	vld.idx.msk [tilespmem:v2+s22+$0x0], $0xffff  }
0x67: {  	[tilespmem:s17+$0x1010] =	vst v7;
	v3 =	vld.idx.msk [tilespmem:v5+s22+$0x0], $0xffff  }
0x68: {  	[tilespmem:s17+$0x1020] =	vst v8  }
0x69: {  	[tilespmem:s18+$0x1030] =	vst v0  }
0x6a: {  	[tilespmem:s18+$0x1010] =	vst v1  }
0x6b: {  	s17 =	sshll.u32 s9, $0x4;
	[tilespmem:s18+$0x1020] =	vst v2  }
0x6c: {  	s7 =	sadd.s32 s6, s16;
	[tilespmem:s18+$0x1000] =	vst v3;
	s18 =	sadd.s32 s17, s10  }
0x6d: {  	[hbm4b:s7+s4] =	stream.linear.scatter [tilespmem:s28], [sflag:$0x5], $0x4000, $0x38;
	[tilespmem:$0x19000] =	vst v63  }
0x6e: {  	s7 =	sshll.u32 s18, $0x9;
	_ =	swait.ge [sflag:s29], $0x4000  }
0x6f: {  	s7 =	sand.u32 $0x1FFFE000, s7;
	[sflag:s29] =	ssyncset.done $0x0  }
0x70: {  	s7 =	sadd.s32 s1, s7;
	[sflag:s29] =	ssyncadd.s32 $0xFFFFC000  }
0x71: {  	[tilespmem:s22], [sflag:$0x1] =	stream.linear.gather [hbm4b:s7+s4], $0x4000, $0x38;
	[tilespmem:$0x19000] =	vst v63  }
0x72: {  	s7 =	simm.s32 @!p0 $0x6  }
0x73: {  	_ =	swait.ge @!p0 [sflag:s7], $0x4000  }
0x74: {  	[sflag:s7] =	ssyncset.done @!p0 $0x0  }
0x75: {  	s19 =	simm.s32 $0x20;
	[sflag:s7] =	ssyncadd.s32 @!p0 $0xFFFFC000  }
0x76: {  	v1 =	vld [tilespmem:s19+$0x10]  }
0x77: {  	v2 =	vld [tilespmem:s19+$0xFFFFFFF0]  }
0x78: {  	v3 =	vld [tilespmem:s19+$0x0]  }
0x79: {  	v4 =	vld [tilespmem:s19+$0xFFFFFFE0];
	_ =	sdelay $0x4  }
0x7a: {  	v0 =	vld.idx.msk [tilespmem:v1+s23+$0x0], $0xffff  }
0x7b: {  	v6 =	vadd.s32 $0x1000, v1;
	v5 =	vld.idx.msk [tilespmem:v2+s23+$0x0], $0xffff  }
0x7c: {  	v7 =	vadd.s32 $0x1000, v2;
	v8 =	vld.idx.msk [tilespmem:v3+s23+$0x0], $0xffff  }
0x7d: {  	s20 =	simm.s32 $0x60;
	v9 =	vadd.s32 $0x1000, v3;
	v10 =	vld.idx.msk [tilespmem:v4+s23+$0x0], $0xffff  }
0x7e: {  	s18 =	simm.s32 $0x17000;
	v13 =	vld [tilespmem:s20+$0x0];
	v11 =	vadd.s32 $0x1000, v4  }
0x7f: {  	v12 =	vld [tilespmem:s20+$0xFFFFFFF0];
	[tilespmem:s18+$0xFFFFE030] =	vst v0  }
0x80: {  	[tilespmem:s18+$0xFFFFE010] =	vst v5;
	v6 =	vld.idx.msk [tilespmem:v6+s23+$0x0], $0xffff  }
0x81: {  	[tilespmem:s18+$0xFFFFE020] =	vst v8;
	v5 =	vld.idx.msk [tilespmem:v7+s23+$0x0], $0xffff  }
0x82: {  	[tilespmem:s18+$0xFFFFE000] =	vst v10;
	v8 =	vld.idx.msk [tilespmem:v9+s23+$0x0], $0xffff  }
0x83: {  	v7 =	vadd.s32 $0x2000, v1;
	v9 =	vld.idx.msk [tilespmem:v11+s23+$0x0], $0xffff  }
0x84: {  	v11 =	vadd.s32 $0x2000, v4  }
0x85: {  	v0 =	vld [tilespmem:s20+$0x10]  }
0x86: {  	v15 =	vld.idx.msk [tilespmem:v13+s23+$0x0], $0xffff;
	[tilespmem:s18+$0xFFFFF030] =	vst v6  }
0x87: {  	v10 =	vadd.s32 $0x2000, v2;
	[tilespmem:s18+$0xFFFFF010] =	vst v5;
	v5 =	vld [tilespmem:s20+$0xFFFFFFE0]  }
0x88: {  	[tilespmem:s18+$0xFFFFF000] =	vst v9;
	v7 =	vld.idx.msk [tilespmem:v7+s23+$0x0], $0xffff  }
0x89: {  	v6 =	vadd.s32 $0x2000, v3;
	[tilespmem:s18+$0xFFFFF020] =	vst v8;
	v8 =	vld.idx.msk [tilespmem:v11+s23+$0x0], $0xffff  }
0x8a: {  	v18 =	vadd.s32 $0x1000, v13;
	v11 =	vld.idx.msk [tilespmem:v12+s23+$0x0], $0xffff  }
0x8b: {  	v1 =	vadd.s32 $0x3000, v1  }
0x8c: {  	s19 =	simm.s32 $0x17040;
	v9 =	vld.idx.msk [tilespmem:v10+s23+$0x0], $0xffff  }
0x8d: {  	[tilespmem:s19+$0xFFFFE020] =	vst v15;
	v4 =	vadd.s32 $0x3000, v4;
	v10 =	vld.idx.msk [tilespmem:v0+s23+$0x0], $0xffff  }
0x8e: {  	v2 =	vadd.s32 $0x3000, v2;
	v6 =	vld.idx.msk [tilespmem:v6+s23+$0x0], $0xffff;
	[tilespmem:s18+$0x30] =	vst v7  }
0x8f: {  	v14 =	vadd.s32 $0x1000, v0;
	[tilespmem:s19+$0xFFFFE010] =	vst v11;
	v11 =	vld.idx.msk [tilespmem:v18+s23+$0x0], $0xffff  }
0x90: {  	v3 =	vadd.s32 $0x3000, v3;
	v1 =	vld.idx.msk [tilespmem:v1+s23+$0x0], $0xffff  }
0x91: {  	v16 =	vadd.s32 $0x1000, v12;
	[tilespmem:s18+$0x0] =	vst v8;
	v17 =	vld.idx.msk [tilespmem:v5+s23+$0x0], $0xffff  }
0x92: {  	v20 =	vadd.s32 $0x1000, v5;
	[tilespmem:s18+$0x10] =	vst v9;
	v19 =	vld.idx.msk [tilespmem:v4+s23+$0x0], $0xffff  }
0x93: {  	[tilespmem:s19+$0xFFFFE030] =	vst v10;
	v7 =	vld.idx.msk [tilespmem:v2+s23+$0x0], $0xffff  }
0x94: {  	v9 =	vld.idx.msk [tilespmem:v14+s23+$0x0], $0xffff;
	[tilespmem:s18+$0x20] =	vst v6  }
0x95: {  	v4 =	vadd.s32 $0x2000, v13;
	v2 =	vadd.s32 $0x3000, v13;
	v13 =	vadd.s32 $0x2000, v0;
	v8 =	vld.idx.msk [tilespmem:v3+s23+$0x0], $0xffff;
	[tilespmem:s18+$0x1030] =	vst v1  }
0x96: {  	v10 =	vld.idx.msk [tilespmem:v16+s23+$0x0], $0xffff;
	v6 =	vadd.s32 $0x2000, v5;
	[tilespmem:s19+$0xFFFFE000] =	vst v17  }
0x97: {  	s7 =	simm.s32 $0xA0;
	s20 =	simm.s32 $0x4;
	v5 =	vadd.s32 $0x3000, v5;
	v3 =	vadd.s32 $0x2000, v12;
	v1 =	vadd.s32 $0x3000, v12;
	[tilespmem:s18+$0x1000] =	vst v19;
	v12 =	vld.idx.msk [tilespmem:v20+s23+$0x0], $0xffff  }
.LBB2_5:
0x98: {  	v14 =	vld [tilespmem:s7+$0x10];
	s20 =	sadd.s32 $0x4, s20;
	[tilespmem:s18+$0x1010] =	vst v7  }
0x99: {  	v7 =	vld [tilespmem:s7+$0xFFFFFFF0];
	p0 =	slt.u32 s20, $0xFC;
	[tilespmem:s19+$0xFFFFF030] =	vst v9  }
0x9a: {  	v9 =	vld.idx.msk [tilespmem:v13+s23+$0x0], $0xffff;
	[tilespmem:s18+$0x1020] =	vst v8;
	s18 =	smov.u32 s19  }
0x9b: {  	v8 =	vld [tilespmem:s7+$0x0];
	[tilespmem:s19+$0xFFFFF010] =	vst v10  }
0x9c: {  	v10 =	vld [tilespmem:s7+$0xFFFFFFE0];
	[tilespmem:s19+$0xFFFFF020] =	vst v11;
	v11 =	vadd.s32 $0x3000, v0  }
0x9d: {  	[tilespmem:s19+$0xFFFFF000] =	vst v12;
	v12 =	vld.idx.msk [tilespmem:v3+s23+$0x0], $0xffff;
	v0 =	vmov v14  }
0x9e: {  	v13 =	vadd.s32 $0x1000, v7;
	v3 =	vadd.s32 $0x2000, v7;
	v15 =	vadd.s32 $0x3000, v7;
	v16 =	vld.idx.msk [tilespmem:v6+s23+$0x0], $0xffff  }
0x9f: {  	v17 =	vld.idx.msk [tilespmem:v4+s23+$0x0], $0xffff  }
0xa0: {  	v18 =	vadd.s32 $0x1000, v8;
	v4 =	vadd.s32 $0x2000, v8;
	v19 =	vadd.s32 $0x3000, v8;
	v14 =	vld.idx.msk [tilespmem:v14+s23+$0x0], $0xffff;
	[tilespmem:s19+$0x30] =	vst v9  }
0xa1: {  	v20 =	vadd.s32 $0x1000, v10;
	v6 =	vadd.s32 $0x2000, v10;
	v9 =	vadd.s32 $0x3000, v10;
	v11 =	vld.idx.msk [tilespmem:v11+s23+$0x0], $0xffff  }
0xa2: {  	v22 =	vadd.s32 $0x1000, v0;
	v21 =	vld.idx.msk [tilespmem:v7+s23+$0x0], $0xffff  }
0xa3: {  	v23 =	vld.idx.msk [tilespmem:v8+s23+$0x0], $0xffff;
	[tilespmem:s19+$0x10] =	vst v12  }
0xa4: {  	v12 =	vld.idx.msk [tilespmem:v10+s23+$0x0], $0xffff;
	[tilespmem:s19+$0x0] =	vst v16  }
0xa5: {  	s19 =	sadd.s32 $0x40, s19;
	v16 =	vld.idx.msk [tilespmem:v5+s23+$0x0], $0xffff;
	[tilespmem:s18+$0x20] =	vst v17;
	v5 =	vmov v9  }
0xa6: {  	[tilespmem:s19+$0xFFFFE030] =	vst v14;
	v7 =	vld.idx.msk [tilespmem:v1+s23+$0x0], $0xffff;
	v1 =	vmov v15  }
.Ltmp1:
0xa7: {  	v9 =	vld.idx.msk [tilespmem:v22+s23+$0x0], $0xffff;
	[tilespmem:s18+$0x1030] =	vst v11;
	(pc) =	sbr.rel @p0 .LBB2_5-.Ltmp1, $4  }
0xa8: {  	[tilespmem:s19+$0xFFFFE010] =	vst v21;
	v8 =	vld.idx.msk [tilespmem:v2+s23+$0x0], $0xffff;
	v2 =	vmov v19  }
0xa9: {  	v10 =	vld.idx.msk [tilespmem:v13+s23+$0x0], $0xffff;
	[tilespmem:s19+$0xFFFFE020] =	vst v23;
	v13 =	vadd.s32 $0x2000, v0  }
0xaa: {  	[tilespmem:s19+$0xFFFFE000] =	vst v12;
	v11 =	vld.idx.msk [tilespmem:v18+s23+$0x0], $0xffff  }
0xab: {  	s7 =	sadd.s32 $0x40, s7;
	v12 =	vld.idx.msk [tilespmem:v20+s23+$0x0], $0xffff;
	[tilespmem:s18+$0x1000] =	vst v16  }
0xac: {  	_ =	sdelay $0x2  }
0xad: {  	[tilespmem:s19+$0xFFFFF030] =	vst v9  }
0xae: {  	v9 =	vld.idx.msk [tilespmem:v13+s23+$0x0], $0xffff;
	[tilespmem:s19+$0xFFFFF010] =	vst v10  }
0xaf: {  	v0 =	vadd.s32 $0x3000, v0;
	[tilespmem:s19+$0xFFFFF020] =	vst v11;
	v3 =	vld.idx.msk [tilespmem:v3+s23+$0x0], $0xffff  }
0xb0: {  	[tilespmem:s19+$0xFFFFF000] =	vst v12;
	v4 =	vld.idx.msk [tilespmem:v4+s23+$0x0], $0xffff  }
0xb1: {  	v6 =	vld.idx.msk [tilespmem:v6+s23+$0x0], $0xffff;
	_ =	sdelay $0x1  }
0xb2: {  	[tilespmem:s19+$0x30] =	vst v9  }
0xb3: {  	v0 =	vld.idx.msk [tilespmem:v0+s23+$0x0], $0xffff;
	[tilespmem:s19+$0x10] =	vst v3  }
0xb4: {  	[tilespmem:s19+$0x20] =	vst v4;
	v1 =	vld.idx.msk [tilespmem:v1+s23+$0x0], $0xffff  }
0xb5: {  	[tilespmem:s19+$0x0] =	vst v6;
	v2 =	vld.idx.msk [tilespmem:v2+s23+$0x0], $0xffff  }
0xb6: {  	[tilespmem:s18+$0x1010] =	vst v7;
	v3 =	vld.idx.msk [tilespmem:v5+s23+$0x0], $0xffff  }
0xb7: {  	[tilespmem:s18+$0x1020] =	vst v8  }
0xb8: {  	[tilespmem:s19+$0x1030] =	vst v0  }
0xb9: {  	[tilespmem:s19+$0x1010] =	vst v1  }
0xba: {  	[tilespmem:s19+$0x1020] =	vst v2  }
0xbb: {  	s7 =	sadd.s32 s16, s11;
	s18 =	sadd.s32 s17, s12;
	[tilespmem:s19+$0x1000] =	vst v3  }
0xbc: {  	[hbm4b:s7+s4] =	stream.linear.scatter [tilespmem:s30], [sflag:$0x6], $0x4000, $0x38;
	[tilespmem:$0x19000] =	vst v63  }
0xbd: {  	s7 =	sshll.u32 s18, $0x9;
	_ =	swait.ge [sflag:s31], $0x4000  }
0xbe: {  	s7 =	sand.u32 $0x1FFFE800, s7;
	[sflag:s31] =	ssyncset.done $0x0  }
0xbf: {  	s7 =	sadd.s32 s1, s7;
	[sflag:s31] =	ssyncadd.s32 $0xFFFFC000  }
0xc0: {  	[tilespmem:s23], [sflag:$0x2] =	stream.linear.gather [hbm4b:s7+s4], $0x4000, $0x38;
	[tilespmem:$0x19000] =	vst v63  }
0xc1: {  	_ =	swait.ge [sflag:s0], $0x4000  }
0xc2: {  	[sflag:s0] =	ssyncset.done $0x0  }
0xc3: {  	s19 =	simm.s32 $0x20;
	[sflag:s0] =	ssyncadd.s32 $0xFFFFC000  }
0xc4: {  	v1 =	vld [tilespmem:s19+$0x10]  }
0xc5: {  	v2 =	vld [tilespmem:s19+$0xFFFFFFF0]  }
0xc6: {  	v3 =	vld [tilespmem:s19+$0x0]  }
0xc7: {  	v4 =	vld [tilespmem:s19+$0xFFFFFFE0];
	_ =	sdelay $0x4  }
0xc8: {  	v0 =	vld.idx.msk [tilespmem:v1+s24+$0x0], $0xffff  }
0xc9: {  	v6 =	vadd.s32 $0x1000, v1;
	v5 =	vld.idx.msk [tilespmem:v2+s24+$0x0], $0xffff  }
0xca: {  	v7 =	vadd.s32 $0x1000, v2;
	v8 =	vld.idx.msk [tilespmem:v3+s24+$0x0], $0xffff  }
0xcb: {  	s20 =	simm.s32 $0x60;
	v9 =	vadd.s32 $0x1000, v3;
	v10 =	vld.idx.msk [tilespmem:v4+s24+$0x0], $0xffff  }
0xcc: {  	s18 =	simm.s32 $0x13000;
	v13 =	vld [tilespmem:s20+$0x0];
	v11 =	vadd.s32 $0x1000, v4  }
0xcd: {  	v12 =	vld [tilespmem:s20+$0xFFFFFFF0];
	[tilespmem:s18+$0xFFFFE030] =	vst v0  }
0xce: {  	[tilespmem:s18+$0xFFFFE010] =	vst v5;
	v6 =	vld.idx.msk [tilespmem:v6+s24+$0x0], $0xffff  }
0xcf: {  	[tilespmem:s18+$0xFFFFE020] =	vst v8;
	v5 =	vld.idx.msk [tilespmem:v7+s24+$0x0], $0xffff  }
0xd0: {  	[tilespmem:s18+$0xFFFFE000] =	vst v10;
	v8 =	vld.idx.msk [tilespmem:v9+s24+$0x0], $0xffff  }
0xd1: {  	v7 =	vadd.s32 $0x2000, v1;
	v9 =	vld.idx.msk [tilespmem:v11+s24+$0x0], $0xffff  }
0xd2: {  	v11 =	vadd.s32 $0x2000, v4  }
0xd3: {  	v0 =	vld [tilespmem:s20+$0x10]  }
0xd4: {  	v15 =	vld.idx.msk [tilespmem:v13+s24+$0x0], $0xffff;
	[tilespmem:s18+$0xFFFFF030] =	vst v6  }
0xd5: {  	v10 =	vadd.s32 $0x2000, v2;
	[tilespmem:s18+$0xFFFFF010] =	vst v5;
	v5 =	vld [tilespmem:s20+$0xFFFFFFE0]  }
0xd6: {  	[tilespmem:s18+$0xFFFFF000] =	vst v9;
	v7 =	vld.idx.msk [tilespmem:v7+s24+$0x0], $0xffff  }
0xd7: {  	v6 =	vadd.s32 $0x2000, v3;
	[tilespmem:s18+$0xFFFFF020] =	vst v8;
	v8 =	vld.idx.msk [tilespmem:v11+s24+$0x0], $0xffff  }
0xd8: {  	v18 =	vadd.s32 $0x1000, v13;
	v11 =	vld.idx.msk [tilespmem:v12+s24+$0x0], $0xffff  }
0xd9: {  	v1 =	vadd.s32 $0x3000, v1  }
0xda: {  	s19 =	simm.s32 $0x13040;
	v9 =	vld.idx.msk [tilespmem:v10+s24+$0x0], $0xffff  }
0xdb: {  	[tilespmem:s19+$0xFFFFE020] =	vst v15;
	v4 =	vadd.s32 $0x3000, v4;
	v10 =	vld.idx.msk [tilespmem:v0+s24+$0x0], $0xffff  }
0xdc: {  	v2 =	vadd.s32 $0x3000, v2;
	v6 =	vld.idx.msk [tilespmem:v6+s24+$0x0], $0xffff;
	[tilespmem:s18+$0x30] =	vst v7  }
0xdd: {  	v14 =	vadd.s32 $0x1000, v0;
	[tilespmem:s19+$0xFFFFE010] =	vst v11;
	v11 =	vld.idx.msk [tilespmem:v18+s24+$0x0], $0xffff  }
0xde: {  	v3 =	vadd.s32 $0x3000, v3;
	v1 =	vld.idx.msk [tilespmem:v1+s24+$0x0], $0xffff  }
0xdf: {  	v16 =	vadd.s32 $0x1000, v12;
	[tilespmem:s18+$0x0] =	vst v8;
	v17 =	vld.idx.msk [tilespmem:v5+s24+$0x0], $0xffff  }
0xe0: {  	v20 =	vadd.s32 $0x1000, v5;
	[tilespmem:s18+$0x10] =	vst v9;
	v19 =	vld.idx.msk [tilespmem:v4+s24+$0x0], $0xffff  }
0xe1: {  	[tilespmem:s19+$0xFFFFE030] =	vst v10;
	v7 =	vld.idx.msk [tilespmem:v2+s24+$0x0], $0xffff  }
0xe2: {  	v9 =	vld.idx.msk [tilespmem:v14+s24+$0x0], $0xffff;
	[tilespmem:s18+$0x20] =	vst v6  }
0xe3: {  	v4 =	vadd.s32 $0x2000, v13;
	v2 =	vadd.s32 $0x3000, v13;
	v13 =	vadd.s32 $0x2000, v0;
	v8 =	vld.idx.msk [tilespmem:v3+s24+$0x0], $0xffff;
	[tilespmem:s18+$0x1030] =	vst v1  }
0xe4: {  	v10 =	vld.idx.msk [tilespmem:v16+s24+$0x0], $0xffff;
	v6 =	vadd.s32 $0x2000, v5;
	[tilespmem:s19+$0xFFFFE000] =	vst v17  }
0xe5: {  	s7 =	simm.s32 $0xA0;
	s20 =	simm.s32 $0x4;
	v5 =	vadd.s32 $0x3000, v5;
	v3 =	vadd.s32 $0x2000, v12;
	v1 =	vadd.s32 $0x3000, v12;
	[tilespmem:s18+$0x1000] =	vst v19;
	v12 =	vld.idx.msk [tilespmem:v20+s24+$0x0], $0xffff  }
.LBB2_7:
0xe6: {  	v14 =	vld [tilespmem:s7+$0x10];
	s20 =	sadd.s32 $0x4, s20;
	[tilespmem:s18+$0x1010] =	vst v7  }
0xe7: {  	v7 =	vld [tilespmem:s7+$0xFFFFFFF0];
	p0 =	slt.u32 s20, $0xFC;
	[tilespmem:s19+$0xFFFFF030] =	vst v9  }
0xe8: {  	v9 =	vld.idx.msk [tilespmem:v13+s24+$0x0], $0xffff;
	[tilespmem:s18+$0x1020] =	vst v8;
	s18 =	smov.u32 s19  }
0xe9: {  	v8 =	vld [tilespmem:s7+$0x0];
	[tilespmem:s19+$0xFFFFF010] =	vst v10  }
0xea: {  	v10 =	vld [tilespmem:s7+$0xFFFFFFE0];
	[tilespmem:s19+$0xFFFFF020] =	vst v11;
	v11 =	vadd.s32 $0x3000, v0  }
0xeb: {  	[tilespmem:s19+$0xFFFFF000] =	vst v12;
	v12 =	vld.idx.msk [tilespmem:v3+s24+$0x0], $0xffff;
	v0 =	vmov v14  }
0xec: {  	v13 =	vadd.s32 $0x1000, v7;
	v3 =	vadd.s32 $0x2000, v7;
	v15 =	vadd.s32 $0x3000, v7;
	v16 =	vld.idx.msk [tilespmem:v6+s24+$0x0], $0xffff  }
0xed: {  	v17 =	vld.idx.msk [tilespmem:v4+s24+$0x0], $0xffff  }
0xee: {  	v18 =	vadd.s32 $0x1000, v8;
	v4 =	vadd.s32 $0x2000, v8;
	v19 =	vadd.s32 $0x3000, v8;
	v14 =	vld.idx.msk [tilespmem:v14+s24+$0x0], $0xffff;
	[tilespmem:s19+$0x30] =	vst v9  }
0xef: {  	v20 =	vadd.s32 $0x1000, v10;
	v6 =	vadd.s32 $0x2000, v10;
	v9 =	vadd.s32 $0x3000, v10;
	v11 =	vld.idx.msk [tilespmem:v11+s24+$0x0], $0xffff  }
0xf0: {  	v22 =	vadd.s32 $0x1000, v0;
	v21 =	vld.idx.msk [tilespmem:v7+s24+$0x0], $0xffff  }
0xf1: {  	v23 =	vld.idx.msk [tilespmem:v8+s24+$0x0], $0xffff;
	[tilespmem:s19+$0x10] =	vst v12  }
0xf2: {  	v12 =	vld.idx.msk [tilespmem:v10+s24+$0x0], $0xffff;
	[tilespmem:s19+$0x0] =	vst v16  }
0xf3: {  	s19 =	sadd.s32 $0x40, s19;
	v16 =	vld.idx.msk [tilespmem:v5+s24+$0x0], $0xffff;
	[tilespmem:s18+$0x20] =	vst v17;
	v5 =	vmov v9  }
0xf4: {  	[tilespmem:s19+$0xFFFFE030] =	vst v14;
	v7 =	vld.idx.msk [tilespmem:v1+s24+$0x0], $0xffff;
	v1 =	vmov v15  }
.Ltmp2:
0xf5: {  	v9 =	vld.idx.msk [tilespmem:v22+s24+$0x0], $0xffff;
	[tilespmem:s18+$0x1030] =	vst v11;
	(pc) =	sbr.rel @p0 .LBB2_7-.Ltmp2, $4  }
0xf6: {  	[tilespmem:s19+$0xFFFFE010] =	vst v21;
	v8 =	vld.idx.msk [tilespmem:v2+s24+$0x0], $0xffff;
	v2 =	vmov v19  }
0xf7: {  	v10 =	vld.idx.msk [tilespmem:v13+s24+$0x0], $0xffff;
	[tilespmem:s19+$0xFFFFE020] =	vst v23;
	v13 =	vadd.s32 $0x2000, v0  }
0xf8: {  	[tilespmem:s19+$0xFFFFE000] =	vst v12;
	v11 =	vld.idx.msk [tilespmem:v18+s24+$0x0], $0xffff  }
0xf9: {  	s7 =	sadd.s32 $0x40, s7;
	v12 =	vld.idx.msk [tilespmem:v20+s24+$0x0], $0xffff;
	[tilespmem:s18+$0x1000] =	vst v16  }
0xfa: {  	_ =	sdelay $0x2  }
0xfb: {  	[tilespmem:s19+$0xFFFFF030] =	vst v9  }
0xfc: {  	v9 =	vld.idx.msk [tilespmem:v13+s24+$0x0], $0xffff;
	[tilespmem:s19+$0xFFFFF010] =	vst v10  }
0xfd: {  	v0 =	vadd.s32 $0x3000, v0;
	[tilespmem:s19+$0xFFFFF020] =	vst v11;
	v3 =	vld.idx.msk [tilespmem:v3+s24+$0x0], $0xffff  }
0xfe: {  	[tilespmem:s19+$0xFFFFF000] =	vst v12;
	v4 =	vld.idx.msk [tilespmem:v4+s24+$0x0], $0xffff  }
0xff: {  	v6 =	vld.idx.msk [tilespmem:v6+s24+$0x0], $0xffff;
	_ =	sdelay $0x1  }
0x100: {  	[tilespmem:s19+$0x30] =	vst v9  }
0x101: {  	v0 =	vld.idx.msk [tilespmem:v0+s24+$0x0], $0xffff;
	[tilespmem:s19+$0x10] =	vst v3  }
0x102: {  	[tilespmem:s19+$0x20] =	vst v4;
	v1 =	vld.idx.msk [tilespmem:v1+s24+$0x0], $0xffff  }
0x103: {  	[tilespmem:s19+$0x0] =	vst v6;
	v2 =	vld.idx.msk [tilespmem:v2+s24+$0x0], $0xffff  }
0x104: {  	[tilespmem:s18+$0x1010] =	vst v7;
	v3 =	vld.idx.msk [tilespmem:v5+s24+$0x0], $0xffff  }
0x105: {  	[tilespmem:s18+$0x1020] =	vst v8  }
0x106: {  	[tilespmem:s19+$0x1030] =	vst v0  }
0x107: {  	[tilespmem:s19+$0x1010] =	vst v1  }
0x108: {  	[tilespmem:s19+$0x1020] =	vst v2  }
0x109: {  	s7 =	sadd.s32 s16, s13;
	s18 =	sadd.s32 s17, s14;
	[tilespmem:s19+$0x1000] =	vst v3  }
0x10a: {  	[hbm4b:s7+s4] =	stream.linear.scatter [tilespmem:s28], [sflag:$0x5], $0x4000, $0x38;
	[tilespmem:$0x19000] =	vst v63  }
0x10b: {  	s7 =	sshll.u32 s18, $0x9;
	_ =	swait.ge [sflag:s2], $0x4000  }
0x10c: {  	s7 =	sand.u32 $0x1FFFF000, s7;
	[sflag:s2] =	ssyncset.done $0x0  }
0x10d: {  	s7 =	sadd.s32 s1, s7;
	[sflag:s2] =	ssyncadd.s32 $0xFFFFC000  }
0x10e: {  	[tilespmem:s24], [sflag:$0x3] =	stream.linear.gather [hbm4b:s7+s4], $0x4000, $0x38;
	[tilespmem:$0x19000] =	vst v63  }
0x10f: {  	_ =	swait.ge [sflag:s3], $0x4000  }
0x110: {  	[sflag:s3] =	ssyncset.done $0x0  }
0x111: {  	s19 =	simm.s32 $0x20;
	[sflag:s3] =	ssyncadd.s32 $0xFFFFC000  }
0x112: {  	v1 =	vld [tilespmem:s19+$0x10]  }
0x113: {  	v2 =	vld [tilespmem:s19+$0xFFFFFFF0]  }
0x114: {  	v3 =	vld [tilespmem:s19+$0x0]  }
0x115: {  	v4 =	vld [tilespmem:s19+$0xFFFFFFE0];
	_ =	sdelay $0x4  }
0x116: {  	v0 =	vld.idx.msk [tilespmem:v1+s26+$0x0], $0xffff  }
0x117: {  	v6 =	vadd.s32 $0x1000, v1;
	v5 =	vld.idx.msk [tilespmem:v2+s26+$0x0], $0xffff  }
0x118: {  	v7 =	vadd.s32 $0x1000, v2;
	v8 =	vld.idx.msk [tilespmem:v3+s26+$0x0], $0xffff  }
0x119: {  	s20 =	simm.s32 $0x60;
	v9 =	vadd.s32 $0x1000, v3;
	v10 =	vld.idx.msk [tilespmem:v4+s26+$0x0], $0xffff  }
0x11a: {  	s16 =	simm.s32 $0x17000;
	v13 =	vld [tilespmem:s20+$0x0];
	v11 =	vadd.s32 $0x1000, v4  }
0x11b: {  	v12 =	vld [tilespmem:s20+$0xFFFFFFF0];
	[tilespmem:s16+$0xFFFFE030] =	vst v0  }
0x11c: {  	[tilespmem:s16+$0xFFFFE010] =	vst v5;
	v6 =	vld.idx.msk [tilespmem:v6+s26+$0x0], $0xffff  }
0x11d: {  	[tilespmem:s16+$0xFFFFE020] =	vst v8;
	v5 =	vld.idx.msk [tilespmem:v7+s26+$0x0], $0xffff  }
0x11e: {  	[tilespmem:s16+$0xFFFFE000] =	vst v10;
	v8 =	vld.idx.msk [tilespmem:v9+s26+$0x0], $0xffff  }
0x11f: {  	v7 =	vadd.s32 $0x2000, v1;
	v9 =	vld.idx.msk [tilespmem:v11+s26+$0x0], $0xffff  }
0x120: {  	v11 =	vadd.s32 $0x2000, v4  }
0x121: {  	v0 =	vld [tilespmem:s20+$0x10]  }
0x122: {  	v15 =	vld.idx.msk [tilespmem:v13+s26+$0x0], $0xffff;
	[tilespmem:s16+$0xFFFFF030] =	vst v6  }
0x123: {  	v10 =	vadd.s32 $0x2000, v2;
	[tilespmem:s16+$0xFFFFF010] =	vst v5;
	v5 =	vld [tilespmem:s20+$0xFFFFFFE0]  }
0x124: {  	[tilespmem:s16+$0xFFFFF000] =	vst v9;
	v7 =	vld.idx.msk [tilespmem:v7+s26+$0x0], $0xffff  }
0x125: {  	v6 =	vadd.s32 $0x2000, v3;
	[tilespmem:s16+$0xFFFFF020] =	vst v8;
	v8 =	vld.idx.msk [tilespmem:v11+s26+$0x0], $0xffff  }
0x126: {  	v18 =	vadd.s32 $0x1000, v13;
	v11 =	vld.idx.msk [tilespmem:v12+s26+$0x0], $0xffff  }
0x127: {  	v1 =	vadd.s32 $0x3000, v1  }
0x128: {  	s17 =	simm.s32 $0x17040;
	v9 =	vld.idx.msk [tilespmem:v10+s26+$0x0], $0xffff  }
0x129: {  	[tilespmem:s17+$0xFFFFE020] =	vst v15;
	v4 =	vadd.s32 $0x3000, v4;
	v10 =	vld.idx.msk [tilespmem:v0+s26+$0x0], $0xffff  }
0x12a: {  	v2 =	vadd.s32 $0x3000, v2;
	v6 =	vld.idx.msk [tilespmem:v6+s26+$0x0], $0xffff;
	[tilespmem:s16+$0x30] =	vst v7  }
0x12b: {  	v14 =	vadd.s32 $0x1000, v0;
	[tilespmem:s17+$0xFFFFE010] =	vst v11;
	v11 =	vld.idx.msk [tilespmem:v18+s26+$0x0], $0xffff  }
0x12c: {  	v3 =	vadd.s32 $0x3000, v3;
	v1 =	vld.idx.msk [tilespmem:v1+s26+$0x0], $0xffff  }
0x12d: {  	v16 =	vadd.s32 $0x1000, v12;
	[tilespmem:s16+$0x0] =	vst v8;
	v17 =	vld.idx.msk [tilespmem:v5+s26+$0x0], $0xffff  }
0x12e: {  	v20 =	vadd.s32 $0x1000, v5;
	[tilespmem:s16+$0x10] =	vst v9;
	v19 =	vld.idx.msk [tilespmem:v4+s26+$0x0], $0xffff  }
0x12f: {  	[tilespmem:s17+$0xFFFFE030] =	vst v10;
	v7 =	vld.idx.msk [tilespmem:v2+s26+$0x0], $0xffff  }
0x130: {  	v9 =	vld.idx.msk [tilespmem:v14+s26+$0x0], $0xffff;
	[tilespmem:s16+$0x20] =	vst v6  }
0x131: {  	v4 =	vadd.s32 $0x2000, v13;
	v2 =	vadd.s32 $0x3000, v13;
	v13 =	vadd.s32 $0x2000, v0;
	v8 =	vld.idx.msk [tilespmem:v3+s26+$0x0], $0xffff;
	[tilespmem:s16+$0x1030] =	vst v1  }
0x132: {  	v10 =	vld.idx.msk [tilespmem:v16+s26+$0x0], $0xffff;
	v6 =	vadd.s32 $0x2000, v5;
	[tilespmem:s17+$0xFFFFE000] =	vst v17  }
0x133: {  	s18 =	simm.s32 $0x4;
	s7 =	simm.s32 $0xA0;
	v5 =	vadd.s32 $0x3000, v5;
	v3 =	vadd.s32 $0x2000, v12;
	v1 =	vadd.s32 $0x3000, v12;
	[tilespmem:s16+$0x1000] =	vst v19;
	v12 =	vld.idx.msk [tilespmem:v20+s26+$0x0], $0xffff  }
.LBB2_9:
0x134: {  	v14 =	vld [tilespmem:s7+$0x10];
	s18 =	sadd.s32 $0x4, s18;
	[tilespmem:s16+$0x1010] =	vst v7  }
0x135: {  	v7 =	vld [tilespmem:s7+$0xFFFFFFF0];
	p0 =	slt.u32 s18, $0xFC;
	[tilespmem:s17+$0xFFFFF030] =	vst v9  }
0x136: {  	v9 =	vld.idx.msk [tilespmem:v13+s26+$0x0], $0xffff;
	[tilespmem:s16+$0x1020] =	vst v8;
	s16 =	smov.u32 s17  }
0x137: {  	v8 =	vld [tilespmem:s7+$0x0];
	[tilespmem:s17+$0xFFFFF010] =	vst v10  }
0x138: {  	v10 =	vld [tilespmem:s7+$0xFFFFFFE0];
	[tilespmem:s17+$0xFFFFF020] =	vst v11;
	v11 =	vadd.s32 $0x3000, v0  }
0x139: {  	[tilespmem:s17+$0xFFFFF000] =	vst v12;
	v12 =	vld.idx.msk [tilespmem:v3+s26+$0x0], $0xffff;
	v0 =	vmov v14  }
0x13a: {  	v13 =	vadd.s32 $0x1000, v7;
	v3 =	vadd.s32 $0x2000, v7;
	v15 =	vadd.s32 $0x3000, v7;
	v16 =	vld.idx.msk [tilespmem:v6+s26+$0x0], $0xffff  }
0x13b: {  	v17 =	vld.idx.msk [tilespmem:v4+s26+$0x0], $0xffff  }
0x13c: {  	v18 =	vadd.s32 $0x1000, v8;
	v4 =	vadd.s32 $0x2000, v8;
	v19 =	vadd.s32 $0x3000, v8;
	v14 =	vld.idx.msk [tilespmem:v14+s26+$0x0], $0xffff;
	[tilespmem:s17+$0x30] =	vst v9  }
0x13d: {  	v20 =	vadd.s32 $0x1000, v10;
	v6 =	vadd.s32 $0x2000, v10;
	v9 =	vadd.s32 $0x3000, v10;
	v11 =	vld.idx.msk [tilespmem:v11+s26+$0x0], $0xffff  }
0x13e: {  	v22 =	vadd.s32 $0x1000, v0;
	v21 =	vld.idx.msk [tilespmem:v7+s26+$0x0], $0xffff  }
0x13f: {  	v23 =	vld.idx.msk [tilespmem:v8+s26+$0x0], $0xffff;
	[tilespmem:s17+$0x10] =	vst v12  }
0x140: {  	v12 =	vld.idx.msk [tilespmem:v10+s26+$0x0], $0xffff;
	[tilespmem:s17+$0x0] =	vst v16  }
0x141: {  	s17 =	sadd.s32 $0x40, s17;
	v16 =	vld.idx.msk [tilespmem:v5+s26+$0x0], $0xffff;
	[tilespmem:s16+$0x20] =	vst v17;
	v5 =	vmov v9  }
0x142: {  	[tilespmem:s17+$0xFFFFE030] =	vst v14;
	v7 =	vld.idx.msk [tilespmem:v1+s26+$0x0], $0xffff;
	v1 =	vmov v15  }
.Ltmp3:
0x143: {  	v9 =	vld.idx.msk [tilespmem:v22+s26+$0x0], $0xffff;
	[tilespmem:s16+$0x1030] =	vst v11;
	(pc) =	sbr.rel @p0 .LBB2_9-.Ltmp3, $4  }
0x144: {  	[tilespmem:s17+$0xFFFFE010] =	vst v21;
	v8 =	vld.idx.msk [tilespmem:v2+s26+$0x0], $0xffff;
	v2 =	vmov v19  }
0x145: {  	v10 =	vld.idx.msk [tilespmem:v13+s26+$0x0], $0xffff;
	[tilespmem:s17+$0xFFFFE020] =	vst v23;
	v13 =	vadd.s32 $0x2000, v0  }
0x146: {  	[tilespmem:s17+$0xFFFFE000] =	vst v12;
	v11 =	vld.idx.msk [tilespmem:v18+s26+$0x0], $0xffff  }
0x147: {  	s7 =	sadd.s32 $0x40, s7;
	v12 =	vld.idx.msk [tilespmem:v20+s26+$0x0], $0xffff;
	[tilespmem:s16+$0x1000] =	vst v16  }
0x148: {  	_ =	sdelay $0x2  }
0x149: {  	[tilespmem:s17+$0xFFFFF030] =	vst v9  }
0x14a: {  	v9 =	vld.idx.msk [tilespmem:v13+s26+$0x0], $0xffff;
	[tilespmem:s17+$0xFFFFF010] =	vst v10  }
0x14b: {  	v0 =	vadd.s32 $0x3000, v0;
	[tilespmem:s17+$0xFFFFF020] =	vst v11;
	v3 =	vld.idx.msk [tilespmem:v3+s26+$0x0], $0xffff  }
0x14c: {  	[tilespmem:s17+$0xFFFFF000] =	vst v12;
	v4 =	vld.idx.msk [tilespmem:v4+s26+$0x0], $0xffff  }
0x14d: {  	v6 =	vld.idx.msk [tilespmem:v6+s26+$0x0], $0xffff;
	_ =	sdelay $0x1  }
0x14e: {  	[tilespmem:s17+$0x30] =	vst v9  }
0x14f: {  	v0 =	vld.idx.msk [tilespmem:v0+s26+$0x0], $0xffff;
	[tilespmem:s17+$0x10] =	vst v3  }
0x150: {  	[tilespmem:s17+$0x20] =	vst v4;
	v1 =	vld.idx.msk [tilespmem:v1+s26+$0x0], $0xffff  }
0x151: {  	[tilespmem:s17+$0x0] =	vst v6;
	v2 =	vld.idx.msk [tilespmem:v2+s26+$0x0], $0xffff  }
0x152: {  	[tilespmem:s16+$0x1010] =	vst v7;
	s9 =	sadd.s32 $0x1, s9;
	v63 =	vld.idx.msk [tilespmem:v5+s26+$0x0], $0xffff  }
0x153: {  	[tilespmem:s16+$0x1020] =	vst v8;
	p0 =	sne.s32 s9, $0x1F  }
.Ltmp4:
0x154: {  	[tilespmem:s17+$0x1030] =	vst v0;
	(pc) =	sbr.rel @p0 .LBB2_2-.Ltmp4, $4  }
0x155: {  	[tilespmem:s17+$0x1010] =	vst v1  }
0x156: {  	[tilespmem:s17+$0x1020] =	vst v2  }
0x157: {  	s7 =	sadd.s32 s6, s15;
	[tilespmem:s17+$0x1000] =	vst v63  }
0x158: {  	[hbm4b:s7+s4] =	stream.linear.scatter [tilespmem:s30], [sflag:$0x6], $0x4000, $0x38;
	[tilespmem:$0x19000] =	vst v63  }
0x159: {  	_ =	swait.ge [sflag:s25], $0x4000  }
0x15a: {  	[sflag:s25] =	ssyncset.done $0x0  }
0x15b: {  	s7 =	rddreg [dreg:$0x7];
	[sflag:s25] =	ssyncadd.s32 $0xFFFFC000  }
0x15c: {  	[tilespmem:s26], [sflag:$0x4] =	stream.linear.gather [hbm4b:s7+s4], $0x4000, $0x38;
	[tilespmem:$0x19000] =	vst v63  }
0x15d: {  	_ =	swait.ge [sflag:s0], $0x4000  }
0x15e: {  	[sflag:s0] =	ssyncset.done $0x0  }
0x15f: {  	s19 =	simm.s32 $0x20;
	[sflag:s0] =	ssyncadd.s32 $0xFFFFC000  }
0x160: {  	v1 =	vld [tilespmem:s19+$0x10]  }
0x161: {  	v2 =	vld [tilespmem:s19+$0xFFFFFFF0]  }
0x162: {  	v3 =	vld [tilespmem:s19+$0x0]  }
0x163: {  	v4 =	vld [tilespmem:s19+$0xFFFFFFE0];
	_ =	sdelay $0x4  }
0x164: {  	v0 =	vld.idx.msk [tilespmem:v1+s22+$0x0], $0xffff  }
0x165: {  	v6 =	vadd.s32 $0x1000, v1;
	v5 =	vld.idx.msk [tilespmem:v2+s22+$0x0], $0xffff  }
0x166: {  	v7 =	vadd.s32 $0x1000, v2;
	v8 =	vld.idx.msk [tilespmem:v3+s22+$0x0], $0xffff  }
0x167: {  	s20 =	simm.s32 $0x60;
	v9 =	vadd.s32 $0x1000, v3;
	v10 =	vld.idx.msk [tilespmem:v4+s22+$0x0], $0xffff  }
0x168: {  	s9 =	simm.s32 $0x13000;
	v13 =	vld [tilespmem:s20+$0x0];
	v11 =	vadd.s32 $0x1000, v4  }
0x169: {  	v12 =	vld [tilespmem:s20+$0xFFFFFFF0];
	[tilespmem:s9+$0xFFFFE030] =	vst v0  }
0x16a: {  	[tilespmem:s9+$0xFFFFE010] =	vst v5;
	v6 =	vld.idx.msk [tilespmem:v6+s22+$0x0], $0xffff  }
0x16b: {  	[tilespmem:s9+$0xFFFFE020] =	vst v8;
	v5 =	vld.idx.msk [tilespmem:v7+s22+$0x0], $0xffff  }
0x16c: {  	[tilespmem:s9+$0xFFFFE000] =	vst v10;
	v8 =	vld.idx.msk [tilespmem:v9+s22+$0x0], $0xffff  }
0x16d: {  	v7 =	vadd.s32 $0x2000, v1;
	v9 =	vld.idx.msk [tilespmem:v11+s22+$0x0], $0xffff  }
0x16e: {  	v11 =	vadd.s32 $0x2000, v4  }
0x16f: {  	v0 =	vld [tilespmem:s20+$0x10]  }
0x170: {  	v15 =	vld.idx.msk [tilespmem:v13+s22+$0x0], $0xffff;
	[tilespmem:s9+$0xFFFFF030] =	vst v6  }
0x171: {  	v10 =	vadd.s32 $0x2000, v2;
	[tilespmem:s9+$0xFFFFF010] =	vst v5;
	v5 =	vld [tilespmem:s20+$0xFFFFFFE0]  }
0x172: {  	[tilespmem:s9+$0xFFFFF000] =	vst v9;
	v7 =	vld.idx.msk [tilespmem:v7+s22+$0x0], $0xffff  }
0x173: {  	v6 =	vadd.s32 $0x2000, v3;
	[tilespmem:s9+$0xFFFFF020] =	vst v8;
	v8 =	vld.idx.msk [tilespmem:v11+s22+$0x0], $0xffff  }
0x174: {  	v18 =	vadd.s32 $0x1000, v13;
	v11 =	vld.idx.msk [tilespmem:v12+s22+$0x0], $0xffff  }
0x175: {  	v1 =	vadd.s32 $0x3000, v1  }
0x176: {  	s15 =	simm.s32 $0x13040;
	v9 =	vld.idx.msk [tilespmem:v10+s22+$0x0], $0xffff  }
0x177: {  	[tilespmem:s15+$0xFFFFE020] =	vst v15;
	v4 =	vadd.s32 $0x3000, v4;
	v10 =	vld.idx.msk [tilespmem:v0+s22+$0x0], $0xffff  }
0x178: {  	v2 =	vadd.s32 $0x3000, v2;
	v6 =	vld.idx.msk [tilespmem:v6+s22+$0x0], $0xffff;
	[tilespmem:s9+$0x30] =	vst v7  }
0x179: {  	v14 =	vadd.s32 $0x1000, v0;
	[tilespmem:s15+$0xFFFFE010] =	vst v11;
	v11 =	vld.idx.msk [tilespmem:v18+s22+$0x0], $0xffff  }
0x17a: {  	v3 =	vadd.s32 $0x3000, v3;
	v1 =	vld.idx.msk [tilespmem:v1+s22+$0x0], $0xffff  }
0x17b: {  	v16 =	vadd.s32 $0x1000, v12;
	[tilespmem:s9+$0x0] =	vst v8;
	v17 =	vld.idx.msk [tilespmem:v5+s22+$0x0], $0xffff  }
0x17c: {  	v20 =	vadd.s32 $0x1000, v5;
	[tilespmem:s9+$0x10] =	vst v9;
	v19 =	vld.idx.msk [tilespmem:v4+s22+$0x0], $0xffff  }
0x17d: {  	[tilespmem:s15+$0xFFFFE030] =	vst v10;
	v7 =	vld.idx.msk [tilespmem:v2+s22+$0x0], $0xffff  }
0x17e: {  	v9 =	vld.idx.msk [tilespmem:v14+s22+$0x0], $0xffff;
	[tilespmem:s9+$0x20] =	vst v6  }
0x17f: {  	v4 =	vadd.s32 $0x2000, v13;
	v2 =	vadd.s32 $0x3000, v13;
	v13 =	vadd.s32 $0x2000, v0;
	v8 =	vld.idx.msk [tilespmem:v3+s22+$0x0], $0xffff;
	[tilespmem:s9+$0x1030] =	vst v1  }
0x180: {  	v10 =	vld.idx.msk [tilespmem:v16+s22+$0x0], $0xffff;
	v6 =	vadd.s32 $0x2000, v5;
	[tilespmem:s15+$0xFFFFE000] =	vst v17  }
0x181: {  	s16 =	simm.s32 $0x4;
	s7 =	simm.s32 $0xA0;
	v5 =	vadd.s32 $0x3000, v5;
	v3 =	vadd.s32 $0x2000, v12;
	v1 =	vadd.s32 $0x3000, v12;
	[tilespmem:s9+$0x1000] =	vst v19;
	v12 =	vld.idx.msk [tilespmem:v20+s22+$0x0], $0xffff  }
.LBB2_12:
0x182: {  	v14 =	vld [tilespmem:s7+$0x10];
	s16 =	sadd.s32 $0x4, s16;
	[tilespmem:s9+$0x1010] =	vst v7  }
0x183: {  	v7 =	vld [tilespmem:s7+$0xFFFFFFF0];
	p0 =	slt.u32 s16, $0xFC;
	[tilespmem:s15+$0xFFFFF030] =	vst v9  }
0x184: {  	v9 =	vld.idx.msk [tilespmem:v13+s22+$0x0], $0xffff;
	[tilespmem:s9+$0x1020] =	vst v8;
	s9 =	smov.u32 s15  }
0x185: {  	v8 =	vld [tilespmem:s7+$0x0];
	[tilespmem:s15+$0xFFFFF010] =	vst v10  }
0x186: {  	v10 =	vld [tilespmem:s7+$0xFFFFFFE0];
	[tilespmem:s15+$0xFFFFF020] =	vst v11;
	v11 =	vadd.s32 $0x3000, v0  }
0x187: {  	[tilespmem:s15+$0xFFFFF000] =	vst v12;
	v12 =	vld.idx.msk [tilespmem:v3+s22+$0x0], $0xffff;
	v0 =	vmov v14  }
0x188: {  	v13 =	vadd.s32 $0x1000, v7;
	v3 =	vadd.s32 $0x2000, v7;
	v15 =	vadd.s32 $0x3000, v7;
	v16 =	vld.idx.msk [tilespmem:v6+s22+$0x0], $0xffff  }
0x189: {  	v17 =	vld.idx.msk [tilespmem:v4+s22+$0x0], $0xffff  }
0x18a: {  	v18 =	vadd.s32 $0x1000, v8;
	v4 =	vadd.s32 $0x2000, v8;
	v19 =	vadd.s32 $0x3000, v8;
	v14 =	vld.idx.msk [tilespmem:v14+s22+$0x0], $0xffff;
	[tilespmem:s15+$0x30] =	vst v9  }
0x18b: {  	v20 =	vadd.s32 $0x1000, v10;
	v6 =	vadd.s32 $0x2000, v10;
	v9 =	vadd.s32 $0x3000, v10;
	v11 =	vld.idx.msk [tilespmem:v11+s22+$0x0], $0xffff  }
0x18c: {  	v22 =	vadd.s32 $0x1000, v0;
	v21 =	vld.idx.msk [tilespmem:v7+s22+$0x0], $0xffff  }
0x18d: {  	v23 =	vld.idx.msk [tilespmem:v8+s22+$0x0], $0xffff;
	[tilespmem:s15+$0x10] =	vst v12  }
0x18e: {  	v12 =	vld.idx.msk [tilespmem:v10+s22+$0x0], $0xffff;
	[tilespmem:s15+$0x0] =	vst v16  }
0x18f: {  	s15 =	sadd.s32 $0x40, s15;
	v16 =	vld.idx.msk [tilespmem:v5+s22+$0x0], $0xffff;
	[tilespmem:s9+$0x20] =	vst v17;
	v5 =	vmov v9  }
0x190: {  	[tilespmem:s15+$0xFFFFE030] =	vst v14;
	v7 =	vld.idx.msk [tilespmem:v1+s22+$0x0], $0xffff;
	v1 =	vmov v15  }
.Ltmp5:
0x191: {  	v9 =	vld.idx.msk [tilespmem:v22+s22+$0x0], $0xffff;
	[tilespmem:s9+$0x1030] =	vst v11;
	(pc) =	sbr.rel @p0 .LBB2_12-.Ltmp5, $4  }
0x192: {  	[tilespmem:s15+$0xFFFFE010] =	vst v21;
	v8 =	vld.idx.msk [tilespmem:v2+s22+$0x0], $0xffff;
	v2 =	vmov v19  }
0x193: {  	v10 =	vld.idx.msk [tilespmem:v13+s22+$0x0], $0xffff;
	[tilespmem:s15+$0xFFFFE020] =	vst v23;
	v13 =	vadd.s32 $0x2000, v0  }
0x194: {  	[tilespmem:s15+$0xFFFFE000] =	vst v12;
	v11 =	vld.idx.msk [tilespmem:v18+s22+$0x0], $0xffff  }
0x195: {  	s7 =	sadd.s32 $0x40, s7;
	v12 =	vld.idx.msk [tilespmem:v20+s22+$0x0], $0xffff;
	[tilespmem:s9+$0x1000] =	vst v16  }
0x196: {  	_ =	sdelay $0x2  }
0x197: {  	[tilespmem:s15+$0xFFFFF030] =	vst v9  }
0x198: {  	v9 =	vld.idx.msk [tilespmem:v13+s22+$0x0], $0xffff;
	[tilespmem:s15+$0xFFFFF010] =	vst v10  }
0x199: {  	v0 =	vadd.s32 $0x3000, v0;
	[tilespmem:s15+$0xFFFFF020] =	vst v11;
	v3 =	vld.idx.msk [tilespmem:v3+s22+$0x0], $0xffff  }
0x19a: {  	[tilespmem:s15+$0xFFFFF000] =	vst v12;
	v4 =	vld.idx.msk [tilespmem:v4+s22+$0x0], $0xffff  }
0x19b: {  	v6 =	vld.idx.msk [tilespmem:v6+s22+$0x0], $0xffff;
	_ =	sdelay $0x1  }
0x19c: {  	[tilespmem:s15+$0x30] =	vst v9  }
0x19d: {  	v0 =	vld.idx.msk [tilespmem:v0+s22+$0x0], $0xffff;
	[tilespmem:s15+$0x10] =	vst v3  }
0x19e: {  	[tilespmem:s15+$0x20] =	vst v4;
	v1 =	vld.idx.msk [tilespmem:v1+s22+$0x0], $0xffff  }
0x19f: {  	[tilespmem:s15+$0x0] =	vst v6;
	v2 =	vld.idx.msk [tilespmem:v2+s22+$0x0], $0xffff  }
0x1a0: {  	[tilespmem:s9+$0x1010] =	vst v7;
	v3 =	vld.idx.msk [tilespmem:v5+s22+$0x0], $0xffff  }
0x1a1: {  	[tilespmem:s9+$0x1020] =	vst v8  }
0x1a2: {  	[tilespmem:s15+$0x1030] =	vst v0  }
0x1a3: {  	[tilespmem:s15+$0x1010] =	vst v1  }
0x1a4: {  	[tilespmem:s15+$0x1020] =	vst v2  }
0x1a5: {  	[tilespmem:s15+$0x1000] =	vst v3  }
0x1a6: {  	s7 =	rddreg [dreg:$0x8]  }
0x1a7: {  	[hbm4b:s7+s4] =	stream.linear.scatter [tilespmem:s28], [sflag:$0x5], $0x4000, $0x38;
	[tilespmem:$0x19000] =	vst v63  }
0x1a8: {  	_ =	swait.ge [sflag:s29], $0x4000  }
0x1a9: {  	[sflag:s29] =	ssyncset.done $0x0  }
0x1aa: {  	[sflag:s29] =	ssyncadd.s32 $0xFFFFC000  }
0x1ab: {  	_ =	swait.ge [sflag:s3], $0x4000  }
0x1ac: {  	[sflag:s3] =	ssyncset.done $0x0  }
0x1ad: {  	s19 =	simm.s32 $0x20;
	[sflag:s3] =	ssyncadd.s32 $0xFFFFC000  }
0x1ae: {  	v1 =	vld [tilespmem:s19+$0x10]  }
0x1af: {  	v2 =	vld [tilespmem:s19+$0xFFFFFFF0]  }
0x1b0: {  	v3 =	vld [tilespmem:s19+$0x0]  }
0x1b1: {  	v4 =	vld [tilespmem:s19+$0xFFFFFFE0];
	_ =	sdelay $0x4  }
0x1b2: {  	v0 =	vld.idx.msk [tilespmem:v1+s23+$0x0], $0xffff  }
0x1b3: {  	v6 =	vadd.s32 $0x1000, v1;
	v5 =	vld.idx.msk [tilespmem:v2+s23+$0x0], $0xffff  }
0x1b4: {  	v7 =	vadd.s32 $0x1000, v2;
	v8 =	vld.idx.msk [tilespmem:v3+s23+$0x0], $0xffff  }
0x1b5: {  	s20 =	simm.s32 $0x60;
	v9 =	vadd.s32 $0x1000, v3;
	v10 =	vld.idx.msk [tilespmem:v4+s23+$0x0], $0xffff  }
0x1b6: {  	s9 =	simm.s32 $0x17000;
	v13 =	vld [tilespmem:s20+$0x0];
	v11 =	vadd.s32 $0x1000, v4  }
0x1b7: {  	v12 =	vld [tilespmem:s20+$0xFFFFFFF0];
	[tilespmem:s9+$0xFFFFE030] =	vst v0  }
0x1b8: {  	[tilespmem:s9+$0xFFFFE010] =	vst v5;
	v6 =	vld.idx.msk [tilespmem:v6+s23+$0x0], $0xffff  }
0x1b9: {  	[tilespmem:s9+$0xFFFFE020] =	vst v8;
	v5 =	vld.idx.msk [tilespmem:v7+s23+$0x0], $0xffff  }
0x1ba: {  	[tilespmem:s9+$0xFFFFE000] =	vst v10;
	v8 =	vld.idx.msk [tilespmem:v9+s23+$0x0], $0xffff  }
0x1bb: {  	v7 =	vadd.s32 $0x2000, v1;
	v9 =	vld.idx.msk [tilespmem:v11+s23+$0x0], $0xffff  }
0x1bc: {  	v11 =	vadd.s32 $0x2000, v4  }
0x1bd: {  	v0 =	vld [tilespmem:s20+$0x10]  }
0x1be: {  	v15 =	vld.idx.msk [tilespmem:v13+s23+$0x0], $0xffff;
	[tilespmem:s9+$0xFFFFF030] =	vst v6  }
0x1bf: {  	v10 =	vadd.s32 $0x2000, v2;
	[tilespmem:s9+$0xFFFFF010] =	vst v5;
	v5 =	vld [tilespmem:s20+$0xFFFFFFE0]  }
0x1c0: {  	[tilespmem:s9+$0xFFFFF000] =	vst v9;
	v7 =	vld.idx.msk [tilespmem:v7+s23+$0x0], $0xffff  }
0x1c1: {  	v6 =	vadd.s32 $0x2000, v3;
	[tilespmem:s9+$0xFFFFF020] =	vst v8;
	v8 =	vld.idx.msk [tilespmem:v11+s23+$0x0], $0xffff  }
0x1c2: {  	v18 =	vadd.s32 $0x1000, v13;
	v11 =	vld.idx.msk [tilespmem:v12+s23+$0x0], $0xffff  }
0x1c3: {  	v1 =	vadd.s32 $0x3000, v1  }
0x1c4: {  	s15 =	simm.s32 $0x17040;
	v9 =	vld.idx.msk [tilespmem:v10+s23+$0x0], $0xffff  }
0x1c5: {  	[tilespmem:s15+$0xFFFFE020] =	vst v15;
	v4 =	vadd.s32 $0x3000, v4;
	v10 =	vld.idx.msk [tilespmem:v0+s23+$0x0], $0xffff  }
0x1c6: {  	v2 =	vadd.s32 $0x3000, v2;
	v6 =	vld.idx.msk [tilespmem:v6+s23+$0x0], $0xffff;
	[tilespmem:s9+$0x30] =	vst v7  }
0x1c7: {  	v14 =	vadd.s32 $0x1000, v0;
	[tilespmem:s15+$0xFFFFE010] =	vst v11;
	v11 =	vld.idx.msk [tilespmem:v18+s23+$0x0], $0xffff  }
0x1c8: {  	v3 =	vadd.s32 $0x3000, v3;
	v1 =	vld.idx.msk [tilespmem:v1+s23+$0x0], $0xffff  }
0x1c9: {  	v16 =	vadd.s32 $0x1000, v12;
	[tilespmem:s9+$0x0] =	vst v8;
	v17 =	vld.idx.msk [tilespmem:v5+s23+$0x0], $0xffff  }
0x1ca: {  	v20 =	vadd.s32 $0x1000, v5;
	[tilespmem:s9+$0x10] =	vst v9;
	v19 =	vld.idx.msk [tilespmem:v4+s23+$0x0], $0xffff  }
0x1cb: {  	[tilespmem:s15+$0xFFFFE030] =	vst v10;
	v7 =	vld.idx.msk [tilespmem:v2+s23+$0x0], $0xffff  }
0x1cc: {  	v9 =	vld.idx.msk [tilespmem:v14+s23+$0x0], $0xffff;
	[tilespmem:s9+$0x20] =	vst v6  }
0x1cd: {  	v4 =	vadd.s32 $0x2000, v13;
	v2 =	vadd.s32 $0x3000, v13;
	v13 =	vadd.s32 $0x2000, v0;
	v8 =	vld.idx.msk [tilespmem:v3+s23+$0x0], $0xffff;
	[tilespmem:s9+$0x1030] =	vst v1  }
0x1ce: {  	v10 =	vld.idx.msk [tilespmem:v16+s23+$0x0], $0xffff;
	v6 =	vadd.s32 $0x2000, v5;
	[tilespmem:s15+$0xFFFFE000] =	vst v17  }
0x1cf: {  	s16 =	simm.s32 $0x4;
	s7 =	simm.s32 $0xA0;
	v5 =	vadd.s32 $0x3000, v5;
	v3 =	vadd.s32 $0x2000, v12;
	v1 =	vadd.s32 $0x3000, v12;
	[tilespmem:s9+$0x1000] =	vst v19;
	v12 =	vld.idx.msk [tilespmem:v20+s23+$0x0], $0xffff  }
.LBB2_14:
0x1d0: {  	v14 =	vld [tilespmem:s7+$0x10];
	s16 =	sadd.s32 $0x4, s16;
	[tilespmem:s9+$0x1010] =	vst v7  }
0x1d1: {  	v7 =	vld [tilespmem:s7+$0xFFFFFFF0];
	p0 =	slt.u32 s16, $0xFC;
	[tilespmem:s15+$0xFFFFF030] =	vst v9  }
0x1d2: {  	v9 =	vld.idx.msk [tilespmem:v13+s23+$0x0], $0xffff;
	[tilespmem:s9+$0x1020] =	vst v8;
	s9 =	smov.u32 s15  }
0x1d3: {  	v8 =	vld [tilespmem:s7+$0x0];
	[tilespmem:s15+$0xFFFFF010] =	vst v10  }
0x1d4: {  	v10 =	vld [tilespmem:s7+$0xFFFFFFE0];
	[tilespmem:s15+$0xFFFFF020] =	vst v11;
	v11 =	vadd.s32 $0x3000, v0  }
0x1d5: {  	[tilespmem:s15+$0xFFFFF000] =	vst v12;
	v12 =	vld.idx.msk [tilespmem:v3+s23+$0x0], $0xffff;
	v0 =	vmov v14  }
0x1d6: {  	v13 =	vadd.s32 $0x1000, v7;
	v3 =	vadd.s32 $0x2000, v7;
	v15 =	vadd.s32 $0x3000, v7;
	v16 =	vld.idx.msk [tilespmem:v6+s23+$0x0], $0xffff  }
0x1d7: {  	v17 =	vld.idx.msk [tilespmem:v4+s23+$0x0], $0xffff  }
0x1d8: {  	v18 =	vadd.s32 $0x1000, v8;
	v4 =	vadd.s32 $0x2000, v8;
	v19 =	vadd.s32 $0x3000, v8;
	v14 =	vld.idx.msk [tilespmem:v14+s23+$0x0], $0xffff;
	[tilespmem:s15+$0x30] =	vst v9  }
0x1d9: {  	v20 =	vadd.s32 $0x1000, v10;
	v6 =	vadd.s32 $0x2000, v10;
	v9 =	vadd.s32 $0x3000, v10;
	v11 =	vld.idx.msk [tilespmem:v11+s23+$0x0], $0xffff  }
0x1da: {  	v22 =	vadd.s32 $0x1000, v0;
	v21 =	vld.idx.msk [tilespmem:v7+s23+$0x0], $0xffff  }
0x1db: {  	v23 =	vld.idx.msk [tilespmem:v8+s23+$0x0], $0xffff;
	[tilespmem:s15+$0x10] =	vst v12  }
0x1dc: {  	v12 =	vld.idx.msk [tilespmem:v10+s23+$0x0], $0xffff;
	[tilespmem:s15+$0x0] =	vst v16  }
0x1dd: {  	s15 =	sadd.s32 $0x40, s15;
	v16 =	vld.idx.msk [tilespmem:v5+s23+$0x0], $0xffff;
	[tilespmem:s9+$0x20] =	vst v17;
	v5 =	vmov v9  }
0x1de: {  	[tilespmem:s15+$0xFFFFE030] =	vst v14;
	v7 =	vld.idx.msk [tilespmem:v1+s23+$0x0], $0xffff;
	v1 =	vmov v15  }
.Ltmp6:
0x1df: {  	v9 =	vld.idx.msk [tilespmem:v22+s23+$0x0], $0xffff;
	[tilespmem:s9+$0x1030] =	vst v11;
	(pc) =	sbr.rel @p0 .LBB2_14-.Ltmp6, $4  }
0x1e0: {  	[tilespmem:s15+$0xFFFFE010] =	vst v21;
	v8 =	vld.idx.msk [tilespmem:v2+s23+$0x0], $0xffff;
	v2 =	vmov v19  }
0x1e1: {  	v10 =	vld.idx.msk [tilespmem:v13+s23+$0x0], $0xffff;
	[tilespmem:s15+$0xFFFFE020] =	vst v23;
	v13 =	vadd.s32 $0x2000, v0  }
0x1e2: {  	[tilespmem:s15+$0xFFFFE000] =	vst v12;
	v11 =	vld.idx.msk [tilespmem:v18+s23+$0x0], $0xffff  }
0x1e3: {  	s7 =	sadd.s32 $0x40, s7;
	v12 =	vld.idx.msk [tilespmem:v20+s23+$0x0], $0xffff;
	[tilespmem:s9+$0x1000] =	vst v16  }
0x1e4: {  	_ =	sdelay $0x2  }
0x1e5: {  	[tilespmem:s15+$0xFFFFF030] =	vst v9  }
0x1e6: {  	v9 =	vld.idx.msk [tilespmem:v13+s23+$0x0], $0xffff;
	[tilespmem:s15+$0xFFFFF010] =	vst v10  }
0x1e7: {  	v0 =	vadd.s32 $0x3000, v0;
	[tilespmem:s15+$0xFFFFF020] =	vst v11;
	v3 =	vld.idx.msk [tilespmem:v3+s23+$0x0], $0xffff  }
0x1e8: {  	[tilespmem:s15+$0xFFFFF000] =	vst v12;
	v4 =	vld.idx.msk [tilespmem:v4+s23+$0x0], $0xffff  }
0x1e9: {  	v6 =	vld.idx.msk [tilespmem:v6+s23+$0x0], $0xffff;
	_ =	sdelay $0x1  }
0x1ea: {  	[tilespmem:s15+$0x30] =	vst v9  }
0x1eb: {  	v0 =	vld.idx.msk [tilespmem:v0+s23+$0x0], $0xffff;
	[tilespmem:s15+$0x10] =	vst v3  }
0x1ec: {  	[tilespmem:s15+$0x20] =	vst v4;
	v1 =	vld.idx.msk [tilespmem:v1+s23+$0x0], $0xffff  }
0x1ed: {  	[tilespmem:s15+$0x0] =	vst v6;
	v2 =	vld.idx.msk [tilespmem:v2+s23+$0x0], $0xffff  }
0x1ee: {  	[tilespmem:s9+$0x1010] =	vst v7;
	v3 =	vld.idx.msk [tilespmem:v5+s23+$0x0], $0xffff  }
0x1ef: {  	[tilespmem:s9+$0x1020] =	vst v8  }
0x1f0: {  	[tilespmem:s15+$0x1030] =	vst v0  }
0x1f1: {  	[tilespmem:s15+$0x1010] =	vst v1  }
0x1f2: {  	[tilespmem:s15+$0x1020] =	vst v2  }
0x1f3: {  	[tilespmem:s15+$0x1000] =	vst v3  }
0x1f4: {  	s7 =	rddreg [dreg:$0x9]  }
0x1f5: {  	[hbm4b:s7+s4] =	stream.linear.scatter [tilespmem:s30], [sflag:$0x6], $0x4000, $0x38;
	[tilespmem:$0x19000] =	vst v63  }
0x1f6: {  	_ =	swait.ge [sflag:s31], $0x4000  }
0x1f7: {  	[sflag:s31] =	ssyncset.done $0x0  }
0x1f8: {  	[sflag:s31] =	ssyncadd.s32 $0xFFFFC000  }
0x1f9: {  	_ =	swait.ge [sflag:s0], $0x4000  }
0x1fa: {  	[sflag:s0] =	ssyncset.done $0x0  }
0x1fb: {  	s19 =	simm.s32 $0x20;
	[sflag:s0] =	ssyncadd.s32 $0xFFFFC000  }
0x1fc: {  	v1 =	vld [tilespmem:s19+$0x10]  }
0x1fd: {  	v2 =	vld [tilespmem:s19+$0xFFFFFFF0]  }
0x1fe: {  	v3 =	vld [tilespmem:s19+$0x0]  }
0x1ff: {  	v4 =	vld [tilespmem:s19+$0xFFFFFFE0];
	_ =	sdelay $0x4  }
0x200: {  	v0 =	vld.idx.msk [tilespmem:v1+s24+$0x0], $0xffff  }
0x201: {  	v6 =	vadd.s32 $0x1000, v1;
	v5 =	vld.idx.msk [tilespmem:v2+s24+$0x0], $0xffff  }
0x202: {  	v7 =	vadd.s32 $0x1000, v2;
	v8 =	vld.idx.msk [tilespmem:v3+s24+$0x0], $0xffff  }
0x203: {  	s20 =	simm.s32 $0x60;
	v9 =	vadd.s32 $0x1000, v3;
	v10 =	vld.idx.msk [tilespmem:v4+s24+$0x0], $0xffff  }
0x204: {  	s9 =	simm.s32 $0x13000;
	v13 =	vld [tilespmem:s20+$0x0];
	v11 =	vadd.s32 $0x1000, v4  }
0x205: {  	v12 =	vld [tilespmem:s20+$0xFFFFFFF0];
	[tilespmem:s9+$0xFFFFE030] =	vst v0  }
0x206: {  	[tilespmem:s9+$0xFFFFE010] =	vst v5;
	v6 =	vld.idx.msk [tilespmem:v6+s24+$0x0], $0xffff  }
0x207: {  	[tilespmem:s9+$0xFFFFE020] =	vst v8;
	v5 =	vld.idx.msk [tilespmem:v7+s24+$0x0], $0xffff  }
0x208: {  	[tilespmem:s9+$0xFFFFE000] =	vst v10;
	v8 =	vld.idx.msk [tilespmem:v9+s24+$0x0], $0xffff  }
0x209: {  	v7 =	vadd.s32 $0x2000, v1;
	v9 =	vld.idx.msk [tilespmem:v11+s24+$0x0], $0xffff  }
0x20a: {  	v11 =	vadd.s32 $0x2000, v4  }
0x20b: {  	v0 =	vld [tilespmem:s20+$0x10]  }
0x20c: {  	v15 =	vld.idx.msk [tilespmem:v13+s24+$0x0], $0xffff;
	[tilespmem:s9+$0xFFFFF030] =	vst v6  }
0x20d: {  	v10 =	vadd.s32 $0x2000, v2;
	[tilespmem:s9+$0xFFFFF010] =	vst v5;
	v5 =	vld [tilespmem:s20+$0xFFFFFFE0]  }
0x20e: {  	[tilespmem:s9+$0xFFFFF000] =	vst v9;
	v7 =	vld.idx.msk [tilespmem:v7+s24+$0x0], $0xffff  }
0x20f: {  	v6 =	vadd.s32 $0x2000, v3;
	[tilespmem:s9+$0xFFFFF020] =	vst v8;
	v8 =	vld.idx.msk [tilespmem:v11+s24+$0x0], $0xffff  }
0x210: {  	v18 =	vadd.s32 $0x1000, v13;
	v11 =	vld.idx.msk [tilespmem:v12+s24+$0x0], $0xffff  }
0x211: {  	v1 =	vadd.s32 $0x3000, v1  }
0x212: {  	s15 =	simm.s32 $0x13040;
	v9 =	vld.idx.msk [tilespmem:v10+s24+$0x0], $0xffff  }
0x213: {  	[tilespmem:s15+$0xFFFFE020] =	vst v15;
	v4 =	vadd.s32 $0x3000, v4;
	v10 =	vld.idx.msk [tilespmem:v0+s24+$0x0], $0xffff  }
0x214: {  	v2 =	vadd.s32 $0x3000, v2;
	v6 =	vld.idx.msk [tilespmem:v6+s24+$0x0], $0xffff;
	[tilespmem:s9+$0x30] =	vst v7  }
0x215: {  	v14 =	vadd.s32 $0x1000, v0;
	[tilespmem:s15+$0xFFFFE010] =	vst v11;
	v11 =	vld.idx.msk [tilespmem:v18+s24+$0x0], $0xffff  }
0x216: {  	v3 =	vadd.s32 $0x3000, v3;
	v1 =	vld.idx.msk [tilespmem:v1+s24+$0x0], $0xffff  }
0x217: {  	v16 =	vadd.s32 $0x1000, v12;
	[tilespmem:s9+$0x0] =	vst v8;
	v17 =	vld.idx.msk [tilespmem:v5+s24+$0x0], $0xffff  }
0x218: {  	v20 =	vadd.s32 $0x1000, v5;
	[tilespmem:s9+$0x10] =	vst v9;
	v19 =	vld.idx.msk [tilespmem:v4+s24+$0x0], $0xffff  }
0x219: {  	[tilespmem:s15+$0xFFFFE030] =	vst v10;
	v7 =	vld.idx.msk [tilespmem:v2+s24+$0x0], $0xffff  }
0x21a: {  	v9 =	vld.idx.msk [tilespmem:v14+s24+$0x0], $0xffff;
	[tilespmem:s9+$0x20] =	vst v6  }
0x21b: {  	v4 =	vadd.s32 $0x2000, v13;
	v2 =	vadd.s32 $0x3000, v13;
	v13 =	vadd.s32 $0x2000, v0;
	v8 =	vld.idx.msk [tilespmem:v3+s24+$0x0], $0xffff;
	[tilespmem:s9+$0x1030] =	vst v1  }
0x21c: {  	v10 =	vld.idx.msk [tilespmem:v16+s24+$0x0], $0xffff;
	v6 =	vadd.s32 $0x2000, v5;
	[tilespmem:s15+$0xFFFFE000] =	vst v17  }
0x21d: {  	s16 =	simm.s32 $0x4;
	s7 =	simm.s32 $0xA0;
	v5 =	vadd.s32 $0x3000, v5;
	v3 =	vadd.s32 $0x2000, v12;
	v1 =	vadd.s32 $0x3000, v12;
	[tilespmem:s9+$0x1000] =	vst v19;
	v12 =	vld.idx.msk [tilespmem:v20+s24+$0x0], $0xffff  }
.LBB2_16:
0x21e: {  	v14 =	vld [tilespmem:s7+$0x10];
	s16 =	sadd.s32 $0x4, s16;
	[tilespmem:s9+$0x1010] =	vst v7  }
0x21f: {  	v7 =	vld [tilespmem:s7+$0xFFFFFFF0];
	p0 =	slt.u32 s16, $0xFC;
	[tilespmem:s15+$0xFFFFF030] =	vst v9  }
0x220: {  	v9 =	vld.idx.msk [tilespmem:v13+s24+$0x0], $0xffff;
	[tilespmem:s9+$0x1020] =	vst v8;
	s9 =	smov.u32 s15  }
0x221: {  	v8 =	vld [tilespmem:s7+$0x0];
	[tilespmem:s15+$0xFFFFF010] =	vst v10  }
0x222: {  	v10 =	vld [tilespmem:s7+$0xFFFFFFE0];
	[tilespmem:s15+$0xFFFFF020] =	vst v11;
	v11 =	vadd.s32 $0x3000, v0  }
0x223: {  	[tilespmem:s15+$0xFFFFF000] =	vst v12;
	v12 =	vld.idx.msk [tilespmem:v3+s24+$0x0], $0xffff;
	v0 =	vmov v14  }
0x224: {  	v13 =	vadd.s32 $0x1000, v7;
	v3 =	vadd.s32 $0x2000, v7;
	v15 =	vadd.s32 $0x3000, v7;
	v16 =	vld.idx.msk [tilespmem:v6+s24+$0x0], $0xffff  }
0x225: {  	v17 =	vld.idx.msk [tilespmem:v4+s24+$0x0], $0xffff  }
0x226: {  	v18 =	vadd.s32 $0x1000, v8;
	v4 =	vadd.s32 $0x2000, v8;
	v19 =	vadd.s32 $0x3000, v8;
	v14 =	vld.idx.msk [tilespmem:v14+s24+$0x0], $0xffff;
	[tilespmem:s15+$0x30] =	vst v9  }
0x227: {  	v20 =	vadd.s32 $0x1000, v10;
	v6 =	vadd.s32 $0x2000, v10;
	v9 =	vadd.s32 $0x3000, v10;
	v11 =	vld.idx.msk [tilespmem:v11+s24+$0x0], $0xffff  }
0x228: {  	v22 =	vadd.s32 $0x1000, v0;
	v21 =	vld.idx.msk [tilespmem:v7+s24+$0x0], $0xffff  }
0x229: {  	v23 =	vld.idx.msk [tilespmem:v8+s24+$0x0], $0xffff;
	[tilespmem:s15+$0x10] =	vst v12  }
0x22a: {  	v12 =	vld.idx.msk [tilespmem:v10+s24+$0x0], $0xffff;
	[tilespmem:s15+$0x0] =	vst v16  }
0x22b: {  	s15 =	sadd.s32 $0x40, s15;
	v16 =	vld.idx.msk [tilespmem:v5+s24+$0x0], $0xffff;
	[tilespmem:s9+$0x20] =	vst v17;
	v5 =	vmov v9  }
0x22c: {  	[tilespmem:s15+$0xFFFFE030] =	vst v14;
	v7 =	vld.idx.msk [tilespmem:v1+s24+$0x0], $0xffff;
	v1 =	vmov v15  }
.Ltmp7:
0x22d: {  	v9 =	vld.idx.msk [tilespmem:v22+s24+$0x0], $0xffff;
	[tilespmem:s9+$0x1030] =	vst v11;
	(pc) =	sbr.rel @p0 .LBB2_16-.Ltmp7, $4  }
0x22e: {  	[tilespmem:s15+$0xFFFFE010] =	vst v21;
	v8 =	vld.idx.msk [tilespmem:v2+s24+$0x0], $0xffff;
	v2 =	vmov v19  }
0x22f: {  	v10 =	vld.idx.msk [tilespmem:v13+s24+$0x0], $0xffff;
	[tilespmem:s15+$0xFFFFE020] =	vst v23;
	v13 =	vadd.s32 $0x2000, v0  }
0x230: {  	[tilespmem:s15+$0xFFFFE000] =	vst v12;
	v11 =	vld.idx.msk [tilespmem:v18+s24+$0x0], $0xffff  }
0x231: {  	s7 =	sadd.s32 $0x40, s7;
	v12 =	vld.idx.msk [tilespmem:v20+s24+$0x0], $0xffff;
	[tilespmem:s9+$0x1000] =	vst v16  }
0x232: {  	_ =	sdelay $0x2  }
0x233: {  	[tilespmem:s15+$0xFFFFF030] =	vst v9  }
0x234: {  	v9 =	vld.idx.msk [tilespmem:v13+s24+$0x0], $0xffff;
	[tilespmem:s15+$0xFFFFF010] =	vst v10  }
0x235: {  	v0 =	vadd.s32 $0x3000, v0;
	[tilespmem:s15+$0xFFFFF020] =	vst v11;
	v3 =	vld.idx.msk [tilespmem:v3+s24+$0x0], $0xffff  }
0x236: {  	[tilespmem:s15+$0xFFFFF000] =	vst v12;
	v4 =	vld.idx.msk [tilespmem:v4+s24+$0x0], $0xffff  }
0x237: {  	v6 =	vld.idx.msk [tilespmem:v6+s24+$0x0], $0xffff;
	_ =	sdelay $0x1  }
0x238: {  	[tilespmem:s15+$0x30] =	vst v9  }
0x239: {  	v0 =	vld.idx.msk [tilespmem:v0+s24+$0x0], $0xffff;
	[tilespmem:s15+$0x10] =	vst v3  }
0x23a: {  	[tilespmem:s15+$0x20] =	vst v4;
	v1 =	vld.idx.msk [tilespmem:v1+s24+$0x0], $0xffff  }
0x23b: {  	[tilespmem:s15+$0x0] =	vst v6;
	v2 =	vld.idx.msk [tilespmem:v2+s24+$0x0], $0xffff  }
0x23c: {  	[tilespmem:s9+$0x1010] =	vst v7;
	v3 =	vld.idx.msk [tilespmem:v5+s24+$0x0], $0xffff  }
0x23d: {  	[tilespmem:s9+$0x1020] =	vst v8  }
0x23e: {  	[tilespmem:s15+$0x1030] =	vst v0  }
0x23f: {  	[tilespmem:s15+$0x1010] =	vst v1  }
0x240: {  	[tilespmem:s15+$0x1020] =	vst v2  }
0x241: {  	[tilespmem:s15+$0x1000] =	vst v3  }
0x242: {  	s7 =	rddreg [dreg:$0xa]  }
0x243: {  	[hbm4b:s7+s4] =	stream.linear.scatter [tilespmem:s28], [sflag:$0x5], $0x4000, $0x38;
	[tilespmem:$0x19000] =	vst v63  }
0x244: {  	_ =	swait.ge [sflag:s2], $0x4000  }
0x245: {  	[sflag:s2] =	ssyncset.done $0x0  }
0x246: {  	[sflag:s2] =	ssyncadd.s32 $0xFFFFC000  }
0x247: {  	_ =	swait.ge [sflag:s3], $0x4000  }
0x248: {  	[sflag:s3] =	ssyncset.done $0x0  }
0x249: {  	s19 =	simm.s32 $0x20;
	[sflag:s3] =	ssyncadd.s32 $0xFFFFC000  }
0x24a: {  	v1 =	vld [tilespmem:s19+$0x10]  }
0x24b: {  	v2 =	vld [tilespmem:s19+$0xFFFFFFF0]  }
0x24c: {  	v3 =	vld [tilespmem:s19+$0x0]  }
0x24d: {  	v4 =	vld [tilespmem:s19+$0xFFFFFFE0];
	_ =	sdelay $0x4  }
0x24e: {  	v0 =	vld.idx.msk [tilespmem:v1+s26+$0x0], $0xffff  }
0x24f: {  	v6 =	vadd.s32 $0x1000, v1;
	v5 =	vld.idx.msk [tilespmem:v2+s26+$0x0], $0xffff  }
0x250: {  	v7 =	vadd.s32 $0x1000, v2;
	v8 =	vld.idx.msk [tilespmem:v3+s26+$0x0], $0xffff  }
0x251: {  	s20 =	simm.s32 $0x60;
	v9 =	vadd.s32 $0x1000, v3;
	v10 =	vld.idx.msk [tilespmem:v4+s26+$0x0], $0xffff  }
0x252: {  	s9 =	simm.s32 $0x17000;
	v13 =	vld [tilespmem:s20+$0x0];
	v11 =	vadd.s32 $0x1000, v4  }
0x253: {  	v12 =	vld [tilespmem:s20+$0xFFFFFFF0];
	[tilespmem:s9+$0xFFFFE030] =	vst v0  }
0x254: {  	[tilespmem:s9+$0xFFFFE010] =	vst v5;
	v6 =	vld.idx.msk [tilespmem:v6+s26+$0x0], $0xffff  }
0x255: {  	[tilespmem:s9+$0xFFFFE020] =	vst v8;
	v5 =	vld.idx.msk [tilespmem:v7+s26+$0x0], $0xffff  }
0x256: {  	[tilespmem:s9+$0xFFFFE000] =	vst v10;
	v8 =	vld.idx.msk [tilespmem:v9+s26+$0x0], $0xffff  }
0x257: {  	v7 =	vadd.s32 $0x2000, v1;
	v9 =	vld.idx.msk [tilespmem:v11+s26+$0x0], $0xffff  }
0x258: {  	v11 =	vadd.s32 $0x2000, v4  }
0x259: {  	v0 =	vld [tilespmem:s20+$0x10]  }
0x25a: {  	v15 =	vld.idx.msk [tilespmem:v13+s26+$0x0], $0xffff;
	[tilespmem:s9+$0xFFFFF030] =	vst v6  }
0x25b: {  	v10 =	vadd.s32 $0x2000, v2;
	[tilespmem:s9+$0xFFFFF010] =	vst v5;
	v5 =	vld [tilespmem:s20+$0xFFFFFFE0]  }
0x25c: {  	[tilespmem:s9+$0xFFFFF000] =	vst v9;
	v7 =	vld.idx.msk [tilespmem:v7+s26+$0x0], $0xffff  }
0x25d: {  	v6 =	vadd.s32 $0x2000, v3;
	[tilespmem:s9+$0xFFFFF020] =	vst v8;
	v8 =	vld.idx.msk [tilespmem:v11+s26+$0x0], $0xffff  }
0x25e: {  	v18 =	vadd.s32 $0x1000, v13;
	v11 =	vld.idx.msk [tilespmem:v12+s26+$0x0], $0xffff  }
0x25f: {  	v1 =	vadd.s32 $0x3000, v1  }
0x260: {  	s15 =	simm.s32 $0x17040;
	v9 =	vld.idx.msk [tilespmem:v10+s26+$0x0], $0xffff  }
0x261: {  	[tilespmem:s15+$0xFFFFE020] =	vst v15;
	v4 =	vadd.s32 $0x3000, v4;
	v10 =	vld.idx.msk [tilespmem:v0+s26+$0x0], $0xffff  }
0x262: {  	v2 =	vadd.s32 $0x3000, v2;
	v6 =	vld.idx.msk [tilespmem:v6+s26+$0x0], $0xffff;
	[tilespmem:s9+$0x30] =	vst v7  }
0x263: {  	v14 =	vadd.s32 $0x1000, v0;
	[tilespmem:s15+$0xFFFFE010] =	vst v11;
	v11 =	vld.idx.msk [tilespmem:v18+s26+$0x0], $0xffff  }
0x264: {  	v3 =	vadd.s32 $0x3000, v3;
	v1 =	vld.idx.msk [tilespmem:v1+s26+$0x0], $0xffff  }
0x265: {  	v16 =	vadd.s32 $0x1000, v12;
	[tilespmem:s9+$0x0] =	vst v8;
	v17 =	vld.idx.msk [tilespmem:v5+s26+$0x0], $0xffff  }
0x266: {  	v20 =	vadd.s32 $0x1000, v5;
	[tilespmem:s9+$0x10] =	vst v9;
	v19 =	vld.idx.msk [tilespmem:v4+s26+$0x0], $0xffff  }
0x267: {  	[tilespmem:s15+$0xFFFFE030] =	vst v10;
	v7 =	vld.idx.msk [tilespmem:v2+s26+$0x0], $0xffff  }
0x268: {  	v9 =	vld.idx.msk [tilespmem:v14+s26+$0x0], $0xffff;
	[tilespmem:s9+$0x20] =	vst v6  }
0x269: {  	v4 =	vadd.s32 $0x2000, v13;
	v2 =	vadd.s32 $0x3000, v13;
	v13 =	vadd.s32 $0x2000, v0;
	v8 =	vld.idx.msk [tilespmem:v3+s26+$0x0], $0xffff;
	[tilespmem:s9+$0x1030] =	vst v1  }
0x26a: {  	v10 =	vld.idx.msk [tilespmem:v16+s26+$0x0], $0xffff;
	v6 =	vadd.s32 $0x2000, v5;
	[tilespmem:s15+$0xFFFFE000] =	vst v17  }
0x26b: {  	s16 =	simm.s32 $0x4;
	s7 =	simm.s32 $0xA0;
	v5 =	vadd.s32 $0x3000, v5;
	v3 =	vadd.s32 $0x2000, v12;
	v1 =	vadd.s32 $0x3000, v12;
	[tilespmem:s9+$0x1000] =	vst v19;
	v12 =	vld.idx.msk [tilespmem:v20+s26+$0x0], $0xffff  }
.LBB2_18:
0x26c: {  	v14 =	vld [tilespmem:s7+$0x10];
	s16 =	sadd.s32 $0x4, s16;
	[tilespmem:s9+$0x1010] =	vst v7  }
0x26d: {  	v7 =	vld [tilespmem:s7+$0xFFFFFFF0];
	p0 =	slt.u32 s16, $0xFC;
	[tilespmem:s15+$0xFFFFF030] =	vst v9  }
0x26e: {  	v9 =	vld.idx.msk [tilespmem:v13+s26+$0x0], $0xffff;
	[tilespmem:s9+$0x1020] =	vst v8;
	s9 =	smov.u32 s15  }
0x26f: {  	v8 =	vld [tilespmem:s7+$0x0];
	[tilespmem:s15+$0xFFFFF010] =	vst v10  }
0x270: {  	v10 =	vld [tilespmem:s7+$0xFFFFFFE0];
	[tilespmem:s15+$0xFFFFF020] =	vst v11;
	v11 =	vadd.s32 $0x3000, v0  }
0x271: {  	[tilespmem:s15+$0xFFFFF000] =	vst v12;
	v12 =	vld.idx.msk [tilespmem:v3+s26+$0x0], $0xffff;
	v0 =	vmov v14  }
0x272: {  	v13 =	vadd.s32 $0x1000, v7;
	v3 =	vadd.s32 $0x2000, v7;
	v15 =	vadd.s32 $0x3000, v7;
	v16 =	vld.idx.msk [tilespmem:v6+s26+$0x0], $0xffff  }
0x273: {  	v17 =	vld.idx.msk [tilespmem:v4+s26+$0x0], $0xffff  }
0x274: {  	v18 =	vadd.s32 $0x1000, v8;
	v4 =	vadd.s32 $0x2000, v8;
	v19 =	vadd.s32 $0x3000, v8;
	v14 =	vld.idx.msk [tilespmem:v14+s26+$0x0], $0xffff;
	[tilespmem:s15+$0x30] =	vst v9  }
0x275: {  	v20 =	vadd.s32 $0x1000, v10;
	v6 =	vadd.s32 $0x2000, v10;
	v9 =	vadd.s32 $0x3000, v10;
	v11 =	vld.idx.msk [tilespmem:v11+s26+$0x0], $0xffff  }
0x276: {  	v22 =	vadd.s32 $0x1000, v0;
	v21 =	vld.idx.msk [tilespmem:v7+s26+$0x0], $0xffff  }
0x277: {  	v23 =	vld.idx.msk [tilespmem:v8+s26+$0x0], $0xffff;
	[tilespmem:s15+$0x10] =	vst v12  }
0x278: {  	v12 =	vld.idx.msk [tilespmem:v10+s26+$0x0], $0xffff;
	[tilespmem:s15+$0x0] =	vst v16  }
0x279: {  	s15 =	sadd.s32 $0x40, s15;
	v16 =	vld.idx.msk [tilespmem:v5+s26+$0x0], $0xffff;
	[tilespmem:s9+$0x20] =	vst v17;
	v5 =	vmov v9  }
0x27a: {  	[tilespmem:s15+$0xFFFFE030] =	vst v14;
	v7 =	vld.idx.msk [tilespmem:v1+s26+$0x0], $0xffff;
	v1 =	vmov v15  }
.Ltmp8:
0x27b: {  	v9 =	vld.idx.msk [tilespmem:v22+s26+$0x0], $0xffff;
	[tilespmem:s9+$0x1030] =	vst v11;
	(pc) =	sbr.rel @p0 .LBB2_18-.Ltmp8, $4  }
0x27c: {  	[tilespmem:s15+$0xFFFFE010] =	vst v21;
	v8 =	vld.idx.msk [tilespmem:v2+s26+$0x0], $0xffff;
	v2 =	vmov v19  }
0x27d: {  	v10 =	vld.idx.msk [tilespmem:v13+s26+$0x0], $0xffff;
	[tilespmem:s15+$0xFFFFE020] =	vst v23;
	v13 =	vadd.s32 $0x2000, v0  }
0x27e: {  	[tilespmem:s15+$0xFFFFE000] =	vst v12;
	v11 =	vld.idx.msk [tilespmem:v18+s26+$0x0], $0xffff  }
0x27f: {  	s7 =	sadd.s32 $0x40, s7;
	v12 =	vld.idx.msk [tilespmem:v20+s26+$0x0], $0xffff;
	[tilespmem:s9+$0x1000] =	vst v16  }
0x280: {  	_ =	sdelay $0x2  }
0x281: {  	[tilespmem:s15+$0xFFFFF030] =	vst v9  }
0x282: {  	v9 =	vld.idx.msk [tilespmem:v13+s26+$0x0], $0xffff;
	[tilespmem:s15+$0xFFFFF010] =	vst v10  }
0x283: {  	v0 =	vadd.s32 $0x3000, v0;
	[tilespmem:s15+$0xFFFFF020] =	vst v11;
	v3 =	vld.idx.msk [tilespmem:v3+s26+$0x0], $0xffff  }
0x284: {  	[tilespmem:s15+$0xFFFFF000] =	vst v12;
	v4 =	vld.idx.msk [tilespmem:v4+s26+$0x0], $0xffff  }
0x285: {  	v6 =	vld.idx.msk [tilespmem:v6+s26+$0x0], $0xffff;
	_ =	sdelay $0x1  }
0x286: {  	[tilespmem:s15+$0x30] =	vst v9  }
0x287: {  	v0 =	vld.idx.msk [tilespmem:v0+s26+$0x0], $0xffff;
	[tilespmem:s15+$0x10] =	vst v3  }
0x288: {  	[tilespmem:s15+$0x20] =	vst v4;
	v1 =	vld.idx.msk [tilespmem:v1+s26+$0x0], $0xffff  }
0x289: {  	[tilespmem:s15+$0x0] =	vst v6;
	v2 =	vld.idx.msk [tilespmem:v2+s26+$0x0], $0xffff  }
0x28a: {  	[tilespmem:s9+$0x1010] =	vst v7;
	v63 =	vld.idx.msk [tilespmem:v5+s26+$0x0], $0xffff  }
0x28b: {  	[tilespmem:s9+$0x1020] =	vst v8  }
0x28c: {  	[tilespmem:s15+$0x1030] =	vst v0  }
0x28d: {  	[tilespmem:s15+$0x1010] =	vst v1  }
0x28e: {  	[tilespmem:s15+$0x1020] =	vst v2  }
0x28f: {  	[tilespmem:s15+$0x1000] =	vst v63  }
0x290: {  	s7 =	rddreg [dreg:$0xb]  }
0x291: {  	[hbm4b:s7+s4] =	stream.linear.scatter [tilespmem:s30], [sflag:$0x6], $0x4000, $0x38;
	[tilespmem:$0x19000] =	vst v63  }
0x292: {  	_ =	swait.ge [sflag:s0], $0x4000  }
0x293: {  	[sflag:s0] =	ssyncset.done $0x0  }
0x294: {  	[sflag:s0] =	ssyncadd.s32 $0xFFFFC000  }
0x295: {  	_ =	swait.ge [sflag:s3], $0x4000  }
0x296: {  	s8 =	sadd.s32 $0x1, s8;
	s20 =	rddreg [dreg:$0xc]  }
0x297: {  	p0 =	sne.s32 s8, s20  }
.Ltmp9:
0x298: {  	_ = 	snop;
	(pc) =	sbr.rel @p0 .LBB2_1-.Ltmp9, $3  }
0x299: {  	_ =	sdelay $0x1  }
0x29a: {  	[sflag:s3] =	ssyncset.done $0x0  }
0x29b: {  	[sflag:s3] =	ssyncadd.s32 $0xFFFFC000  }
0x29c: {  	_ =	sfence.sel $0x180000  }
0x29d: {  	[bflag:$0x0] =	sbarrier.arrive $0xFFFF  }
0x29e: {  	_ =	strace $0x9000004A  }
0x29f: {  	s0 =	stileid.u32;
	[bflag:$0x2] =	sbarrier.arrive $0xFFFF  }
0x2a0: {  	p0 =	sne.s32 s0, $0x0;
	s0 =	rddreg [dreg:$0x3]  }
0x2a1: {  	s0 =	sadd.s32 @!p0 $0x100000, s0  }
0x2a2: {  	[sflag:s0] =	ssyncadd.tile.s32 @!p0 $0x1;
	_ =	shalt  }
.Lfunc_end2:
_tile_overlayer_lowered:
.L_overlay_start_2:
0x2a3: {  	(tag) =	ssettag $0x2  }
0x2a4: {  	s0 =	rddreg [dreg:$0x0];
	s2 =	stileid.u32  }
0x2a5: {  	s1 =	rddreg [dreg:$0x1];
	p0 =	sne.s32 s2, $0x0  }
0x2a6: {  	s3 =	rddreg [dreg:$0x2];
	[bflag:$0x3] =	sbarrier.arrive $0xFFFF;
	s2 =	simm.s32 @!p0 $0x1C07  }
0x2a7: {  	[timem:s3], [sflag:s2] =	dma.local @!p0 [hbm:s0], s1  }
0x2a8: {  	s0 =	simm.s32 @!p0 $0x7  }
0x2a9: {  	_ =	swait.ge @!p0 [sflag:s0], s1  }
0x2aa: {  	s1 =	ssub.s32 @!p0 $0x0, s1;
	[sflag:s0] =	ssyncset.done @!p0 $0x0  }
0x2ab: {  	[sflag:s0] =	ssyncadd.s32 @!p0 s1  }
0x2ac: {  	[bflag:$0x3] =	sbarrier.arrive $0xFFFF  }
0x2ad: {  	_ =	shalt  }

// kernel: sparse-core-data-format-call.cloned.1.call-start
scs
called_computation_lowered:
.L_overlay_start_0:
0x0: {  	s2 =	sld [smem:$0x3FD9]  }
0x1: {  	s3 =	sld [smem:$0x3FFE];
	_ =	sdelay $0x1  }
0x2: {  	s1 =	srdreg.scid  }
0x3: {  	s0 =	sand.u32 $0x1, s1  }
0x4: {  	s19 =	sshll.u32 s0, $0xA;
	s2 =	sadd.s32 s3, s2  }
0x5: {  	s2 =	sadd.s32 s2, s19  }
0x6: {  	[smem:$0x3FC6] =	sst s2  }
0x7: {  	_ = 	snop  }
0x8: {  	s2 =	sld [smem:$0x3FC9]  }
0x9: {  	s20 =	sld [smem:$0x3FD0];
	(tm) =	ssettm $0x1  }
0xa: {  	s4 =	sld [smem:$0x3FFB];
	_ =	sdelay $0x3  }
0xb: {  	_ =	strace s4  }
0xc: {  	s4 =	sld [smem:$0x3FFC];
	_ =	sdelay $0x3  }
0xd: {  	_ =	strace s4  }
0xe: {  	s4 =	sld [smem:$0x3FFD];
	_ =	sdelay $0x3  }
0xf: {  	_ =	strace s4  }
0x10: {  	_ =	strace $0x8FFFFFFF  }
0x11: {  	s21 =	sld [smem:$0x3FDB];
	_ =	sdelay $0x1  }
0x12: {  	s5 =	simm.s32 $_scs_section_size  }
0x13: {  	s6 =	simm.s32 $_size__tile_overlayer_lowered;
	s7 =	simm.s32 $_tile_overlayer_lowered  }
0x14: {  	s24 =	simm.s32 $0x1BFF;
	s23 =	sshll.u32 s7, $0x1;
	s4 =	sadd.s32 s5, s21  }
0x15: {  	s8 =	simm.s32 $0x0;
	s22 =	sshll.u32 s6, $0x1;
	s6 =	sadd.s32 s23, s4  }
0x16: {  	[timem:s8], [sflag:s24] =	dma.local [hbm:s6], s22  }
0x17: {  	_ =	swait.ge [sflag:s24], s22  }
0x18: {  	s5 =	ssub.s32 $0x0, s22;
	[sflag:s24] =	ssyncset.done $0x0  }
0x19: {  	[sflag:s24] =	ssyncadd.s32 s5;
	_ =	sdelay $0x1  }
0x1a: {  	s25 =	simm.s32 $0x1B8B  }
0x1b: {  	_ =	swait.ge [sflag:s25], $0x1  }
0x1c: {  	[sflag:s25] =	ssyncset.done $0x0  }
0x1d: {  	s26 =	simm.s32 $0x1B8E;
	[sflag:s25] =	ssyncadd.s32 $0xFFFFFFFF  }
0x1e: {  	s27 =	simm.s32 $execute0_lowered;
	[smem:$0x3FD2] =	sst s26  }
0x1f: {  	s5 =	sshll.u32 s27, $0x1;
	_ =	strace $0x80000046;
	[dreg:$0x1] =	wrdreg $0xFFFFFFFF  }
0x20: {  	s28 =	simm.s32 $_size_execute0_lowered;
	s4 =	sadd.s32 s4, s5;
	[dreg:$0x0] =	wrdreg $0x0  }
0x21: {  	s5 =	sshll.u32 s28, $0x1;
	[dreg:$0x2] =	wrdreg s4  }
0x22: {  	[dreg:$0x3] =	wrdreg s5  }
0x23: {  	[dreg:$0x4] =	wrdreg $0xC0  }
0x24: {  	_ =	task [dreg:s8], $0x5FFFF  }
0x25: {  	[dreg:$0x1] =	wrdreg $0xFFFFFFFF  }
0x26: {  	[dreg:$0x0] =	wrdreg $0x60  }
0x27: {  	[dreg:$0x2] =	wrdreg s2  }
0x28: {  	[dreg:$0x3] =	wrdreg s20  }
0x29: {  	[dreg:$0x4] =	wrdreg $0x9  }
0x2a: {  	_ =	task.clear_ibuf [dreg:s8], $0x5FFFF;
	_ =	strace $0x90000046  }
0x2b: {  	s29 =	simm.s32 $0x9;
	_ =	strace $0x80000048  }
0x2c: {  	_ =	swait.ge [sflag:s29], $0x1  }
0x2d: {  	[sflag:s29] =	ssyncadd.s32 $0xFFFFFFFF  }
0x2e: {  	_ =	strace $0x90000048  }
0x2f: {  	_ =	sfence  }
0x30: {  	s30 =	sld [smem:$0x0];
	_ =	sdelay $0x2  }
0x31: {  	s31 =	sshll.u32 s1, $0xD;
	s1 =	sshrl.u32 s1, $0x2  }
0x32: {  	s3 =	sand.u32 $0x4000, s31;
	s1 =	sadd.s32 s1, s30  }
0x33: {  	s0 =	sor.u32 s3, s0;
	s1 =	sshll.u32 s1, $0x11  }
0x34: {  	s0 =	sor.u32 s1, s0  }
0x35: {  	s0 =	sadd.s32 $0x8F2B, s0  }
0x36: {  	[sflag:s0] =	ssyncadd.remote.s32 $0x1  }
0x37: {  	_ =	sfence.sel $0xFFFF  }
0x38: {  	[dreg:$0x0] =	wrdreg $0xFFFFFFFF;
	(pc) =	sbr.abs _section_cstart, $3  }
0x39: {  	[dreg:$0x1] =	wrdreg $0xFFFFFFFF  }
0x3a: {  	_ =	task.clear_ibuf [dreg:s8], $0x2FFFF;
	_ =	strace $0x9FFFFFFF  }
0x3b: {  	(tm) =	ssettm $0x7FFFFFFF  }
tec
execute0_lowered:
.L_overlay_start_1:
0x0: {  	(tag) =	ssettag $0x1  }
0x1: {  	s2 =	rddreg [dreg:$0x0]  }
0x2: {  	s3 =	rddreg [dreg:$0x1]  }
0x3: {  	s0 =	rddreg [dreg:$0x2];
	_ =	strace $0x80000047  }
0x4: {  	s4 =	srdreg.scid;
	s1 =	stileid.u32;
	s6 =	simm.s32 $0x2  }
.Ltmp0:
0x5: {  	s11 =	simm.s32 $0x0;
	p0 =	por $0x0, $0x0;
	(pc) =	sbr.rel .LBB1_1-.Ltmp0, $4  }
0x6: {  	s7 =	simm.s32 $0x1000;
	s12 =	simm.s32 $0x0;
	s5 =	sshll.u32 s4, $0x4  }
0x7: {  	s9 =	simm.s32 $0x0;
	s4 =	simm.s32 $0x1;
	s5 =	sand.u32 $0x10, s5  }
0x8: {  	s8 =	simm.s32 $0x0;
	[sflag:s4] =	ssyncpa.u1 $0x0;
	s5 =	sor.u32 s1, s5  }
0x9: {  	[sflag:s6] =	ssyncpa.u1 $0x0;
	s6 =	simm.s32 $0x800;
	s10 =	smov.u32 s5  }
.LBB1_7:
0xa: {  	s13 =	sadd.s32 $0x10, s9  }
0xb: {  	s11 =	sadd.s32 $0x20, s10;
	s15 =	smov.u32 s10;
	p2 =	sgt.s32 s13, $0x1F  }
0xc: {  	p1 =	slt.u32 s8, $0x2;
	s15 =	smov.u32 @p2 s11  }
0xd: {  	s8 =	sadd.s32 $0x1, s8;
	s13 =	simm.s32 @p2 $0x0;
	p2 =	sgt.s32 s15, $0x7FF  }
0xe: {  	s15 =	smov.u32 @p2 s5;
	p2 =	sne.s32 s8, $0x82  }
.Ltmp1:
0xf: {  	_ = 	snop;
	(pc) =	sbr.rel @!p2 .LBB1_8-.Ltmp1, $4  }
0x10: {  	s14 =	simm.s32 @!p1 $0x2  }
0x11: {  	s12 =	smov.u32 s10;
	_ =	swait.ge @!p1 [sflag:s14], $0x4000  }
0x12: {  	p0 =	por !p0, !p0;
	s11 =	smov.u32 s9;
	[sflag:s14] =	ssyncset.done @!p1 $0x0  }
0x13: {  	s9 =	smov.u32 s13;
	[sflag:s14] =	ssyncadd.s32 @!p1 $0xFFFFC000;
	s10 =	smov.u32 s15  }
.LBB1_1:
0x14: {  	p1 =	sgt.u32 s8, $0x7F  }
0x15: {  	s13 =	sxor.u32 @!p1 $0xFFFFFFFF, s8;
	s14 =	sshll.u32 @!p1 s10, $0xC  }
0x16: {  	s15 =	sshll.u32 @!p1 s9, $0x7;
	s13 =	sshll.u32 @!p1 s13, $0xE;
	s14 =	sadd.s32 @!p1 s2, s14  }
0x17: {  	s13 =	sand.u32 @!p1 $0x4000, s13;
	s14 =	sadd.s32 @!p1 s15, s14;
	s15 =	simm.s32 @!p1 $0x0  }
0x18: {  	[tilespmem:s13], [sflag:$0x1] =	stream.linear.gather @!p1 [hbm4b:s14+s15], $0x4000, $0x38;
	[tilespmem:$0x10000] =	vst v63  }
0x19: {  	p1 =	seq.s32 s8, $0x0  }
0x1a: {  	p2 =	seq.s32 @!p1 s8, $0x81  }
0x1b: {  	p1 =	por p1, p2  }
.Ltmp2:
0x1c: {  	_ = 	snop;
	(pc) =	sbr.rel @p1 .LBB1_7-.Ltmp2, $1  }
0x1d: {  	_ =	sdelay $0x3  }
0x1e: {  	s13 =	simm.s32 $0x1;
	_ =	swait.ge [sflag:s4], $0x4000;
	s16 =	sshll.u32 s8, $0xE  }
0x1f: {  	s13 =	simm.s32 @!p0 $0x0;
	[sflag:s4] =	ssyncset.done $0x0;
	s31 =	sand.u32 $0x4000, s16  }
0x20: {  	s16 =	simm.s32 $0x0;
	s14 =	sshll.u32 s13, $0xE;
	[sflag:s4] =	ssyncadd.s32 $0xFFFFC000  }
0x21: {  	s13 =	sor.u32 $0x8040, s14;
	s15 =	sor.u32 $0x40, s14;
	s14 =	sor.u32 $0x8000, s31  }
.LBB1_3:
0x22: {  	v0 =	vmov s15;
	_ =	sdelay $0x3  }
0x23: {  	s18 =	simm.s32 $0x0  }
0x24: {  	v6 =	vld.idx.msk [tilespmem:v0+s18+$0x30 ss:$0x1], $0xffff  }
0x25: {  	v7 =	vld.idx.msk [tilespmem:v0+s18+$0xFFFFFFC0 ss:$0x1], $0xffff  }
0x26: {  	v5 =	vld.idx.msk [tilespmem:v0+s18+$0xFFFFFFD0 ss:$0x1], $0xffff  }
0x27: {  	v4 =	vld.idx.msk [tilespmem:v0+s18+$0xFFFFFFE0 ss:$0x1], $0xffff  }
0x28: {  	v3 =	vld.idx.msk [tilespmem:v0+s18+$0xFFFFFFF0 ss:$0x1], $0xffff  }
0x29: {  	v1 =	vld.idx.msk [tilespmem:v0+s18+$0x0 ss:$0x1], $0xffff  }
0x2a: {  	v2 =	vld.idx.msk [tilespmem:v0+s18+$0x10 ss:$0x1], $0xffff;
	[tilespmem:s13+$0x30] =	vst v6  }
0x2b: {  	s17 =	simm.s32 $0x80;
	s19 =	simm.s32 $0x400;
	[tilespmem:s13+$0xFFFFFFC0] =	vst v7;
	v6 =	vld.idx.msk [tilespmem:v0+s18+$0x20 ss:$0x1], $0xffff;
	s18 =	smov.u32 s13  }
.LBB1_4:
0x2c: {  	p1 =	sne.s32 s19, $0xE00;
	v7 =	vld.idx.msk [tilespmem:v0+s17+$0x30 ss:$0x1], $0xffff;
	[tilespmem:s18+$0xFFFFFFD0] =	vst v5  }
0x2d: {  	v8 =	vld.idx.msk [tilespmem:v0+s17+$0xFFFFFFC0 ss:$0x1], $0xffff;
	[tilespmem:s18+$0xFFFFFFE0] =	vst v4  }
0x2e: {  	v5 =	vld.idx.msk [tilespmem:v0+s17+$0xFFFFFFD0 ss:$0x1], $0xffff;
	[tilespmem:s18+$0xFFFFFFF0] =	vst v3  }
.Ltmp3:
0x2f: {  	v4 =	vld.idx.msk [tilespmem:v0+s17+$0xFFFFFFE0 ss:$0x1], $0xffff;
	[tilespmem:s18+$0x0] =	vst v1;
	(pc) =	sbr.rel @p1 .LBB1_4-.Ltmp3, $4  }
0x30: {  	v3 =	vld.idx.msk [tilespmem:v0+s17+$0xFFFFFFF0 ss:$0x1], $0xffff;
	[tilespmem:s18+$0x10] =	vst v2  }
0x31: {  	v1 =	vld.idx.msk [tilespmem:v0+s17+$0x0 ss:$0x1], $0xffff;
	[tilespmem:s18+$0x20] =	vst v6;
	s18 =	sadd.s32 $0x800, s18  }
0x32: {  	v2 =	vld.idx.msk [tilespmem:v0+s17+$0x10 ss:$0x1], $0xffff;
	[tilespmem:s18+$0x30] =	vst v7  }
0x33: {  	[tilespmem:s18+$0xFFFFFFC0] =	vst v8;
	v6 =	vld.idx.msk [tilespmem:v0+s17+$0x20 ss:$0x1], $0xffff;
	s17 =	sshra.s32 s19, $0x2;
	s19 =	sadd.s32 $0x200, s19  }
0x34: {  	_ =	sdelay $0x2  }
0x35: {  	[tilespmem:s18+$0xFFFFFFD0] =	vst v5  }
0x36: {  	v56 =	vld.idx.msk [tilespmem:v0+s17+$0x30 ss:$0x1], $0xffff;
	[tilespmem:s18+$0xFFFFFFE0] =	vst v4  }
0x37: {  	v57 =	vld.idx.msk [tilespmem:v0+s17+$0xFFFFFFC0 ss:$0x1], $0xffff;
	[tilespmem:s18+$0xFFFFFFF0] =	vst v3  }
0x38: {  	v58 =	vld.idx.msk [tilespmem:v0+s17+$0xFFFFFFD0 ss:$0x1], $0xffff;
	[tilespmem:s18+$0x0] =	vst v1  }
0x39: {  	v59 =	vld.idx.msk [tilespmem:v0+s17+$0xFFFFFFE0 ss:$0x1], $0xffff;
	[tilespmem:s18+$0x10] =	vst v2  }
0x3a: {  	v60 =	vld.idx.msk [tilespmem:v0+s17+$0xFFFFFFF0 ss:$0x1], $0xffff;
	s31 =	sadd.s32 $0x800, s18;
	[tilespmem:s18+$0x20] =	vst v6  }
0x3b: {  	v61 =	vld.idx.msk [tilespmem:v0+s17+$0x0 ss:$0x1], $0xffff;
	[tilespmem:s31+$0x30] =	vst v56  }
0x3c: {  	v62 =	vld.idx.msk [tilespmem:v0+s17+$0x10 ss:$0x1], $0xffff;
	s16 =	sadd.s32 $0x1, s16;
	[tilespmem:s31+$0xFFFFFFC0] =	vst v57  }
0x3d: {  	v63 =	vld.idx.msk [tilespmem:v0+s17+$0x20 ss:$0x1], $0xffff;
	p1 =	sne.s32 s16, $0x10;
	[tilespmem:s31+$0xFFFFFFD0] =	vst v58  }
.Ltmp4:
0x3e: {  	[tilespmem:s31+$0xFFFFFFE0] =	vst v59;
	(pc) =	sbr.rel @p1 .LBB1_3-.Ltmp4, $4  }
0x3f: {  	[tilespmem:s31+$0xFFFFFFF0] =	vst v60  }
0x40: {  	[tilespmem:s31+$0x0] =	vst v61  }
0x41: {  	[tilespmem:s31+$0x10] =	vst v62  }
0x42: {  	s13 =	sadd.s32 $0x80, s13;
	s15 =	sadd.s32 $0x400, s15;
	[tilespmem:s31+$0x20] =	vst v63  }
.Ltmp5:
0x43: {  	(pc) =	sbr.rel .LBB1_7-.Ltmp5, $4  }
0x44: {  	s12 =	sshll.u32 s12, $0xC;
	s11 =	sshll.u32 s11, $0x4  }
0x45: {  	s11 =	sand.u32 $0x1F0, s11;
	s12 =	sadd.s32 s3, s12  }
0x46: {  	s11 =	sadd.s32 s11, s12  }
0x47: {  	[hbm4b:s11+s6] =	stream.strided.scatter [tilespmem:s14], [sflag:$0x2], $0x4000, s7, s6, $0x38;
	[tilespmem:$0x10000] =	vst v63  }
.LBB1_8:
0x48: {  	_ =	sfence.sel $0x180000  }
0x49: {  	s2 =	simm.s32 $0x1;
	[bflag:$0x0] =	sbarrier.arrive $0xFFFF  }
0x4a: {  	s31 =	simm.s32 $0x2;
	[sflag:s2] =	ssyncpa.u1 $0x1  }
0x4b: {  	[sflag:s31] =	ssyncpa.u1 $0x1  }
0x4c: {  	p0 =	sne.s32 s1, $0x0;
	_ =	strace $0x90000047  }
0x4d: {  	s0 =	sadd.s32 @!p0 $0x100000, s0;
	[bflag:$0x2] =	sbarrier.arrive $0xFFFF  }
0x4e: {  	[sflag:s0] =	ssyncadd.tile.s32 @!p0 $0x1;
	_ =	shalt  }
.Lfunc_end1:
_tile_overlayer_lowered:
.L_overlay_start_2:
0x4f: {  	(tag) =	ssettag $0x2  }
0x50: {  	s0 =	rddreg [dreg:$0x0];
	s2 =	stileid.u32  }
0x51: {  	s1 =	rddreg [dreg:$0x1];
	p0 =	sne.s32 s2, $0x0  }
0x52: {  	s3 =	rddreg [dreg:$0x2];
	[bflag:$0x3] =	sbarrier.arrive $0xFFFF;
	s2 =	simm.s32 @!p0 $0x1C01  }
0x53: {  	[timem:s3], [sflag:s2] =	dma.local @!p0 [hbm:s0], s1  }
0x54: {  	s0 =	simm.s32 @!p0 $0x1  }
0x55: {  	_ =	swait.ge @!p0 [sflag:s0], s1  }
0x56: {  	s1 =	ssub.s32 @!p0 $0x0, s1;
	[sflag:s0] =	ssyncset.done @!p0 $0x0  }
0x57: {  	[sflag:s0] =	ssyncadd.s32 @!p0 s1  }
0x58: {  	[bflag:$0x3] =	sbarrier.arrive $0xFFFF  }
0x59: {  	_ =	shalt  }

</sc_bundles>
